<compile_context>
chip_gen: v7x
topology: tpu7x:2x2x1
jax: 0.10.2.dev20260603
libtpu: 0.0.44.dev20260713+nightly
codegen_flags: <defaults>
</compile_context>

<pallas_src>
import functools

import jax
import jax.numpy as jnp
from jax import lax
from jax.experimental import pallas as pl
from jax.experimental.pallas import tpu as pltpu
from jax.experimental.pallas import tpu_sc as plsc

_E = 800000
_N = 50000
_EMB = 32

_B1 = 16000
_G1 = _E // _B1
_EP = _E


def _tc_logits_body(xr_ref, wr_ref, br_ref, xt_ref, wt_ref, bt_ref,
                    er_ref, et_ref):
    dn = (((1,), (1,)), ((), ()))
    lr = lax.dot_general(wr_ref[...], xr_ref[...], dn,
                         preferred_element_type=jnp.float32) + br_ref[...]
    lt = lax.dot_general(wt_ref[...], xt_ref[...], dn,
                         preferred_element_type=jnp.float32) + bt_ref[...]
    i = pl.program_id(0)
    er_ref[pl.ds(i * _B1, _B1)] = jnp.exp(lr).reshape(_B1)
    et_ref[pl.ds(i * _B1, _B1)] = jnp.exp(lt).reshape(_B1)


_tc_logits = pl.pallas_call(
    _tc_logits_body,
    grid=(_G1,),
    in_specs=[
        pl.BlockSpec((_B1, 3 * _EMB), lambda i: (i, 0)),
        pl.BlockSpec((1, 3 * _EMB), lambda i: (0, 0)),
        pl.BlockSpec((1, 1), lambda i: (0, 0)),
        pl.BlockSpec((_B1, 3 * _EMB), lambda i: (i, 0)),
        pl.BlockSpec((1, 3 * _EMB), lambda i: (0, 0)),
        pl.BlockSpec((1, 1), lambda i: (0, 0)),
    ],
    out_specs=[
        pl.BlockSpec((_E,), lambda i: (0,)),
        pl.BlockSpec((_E,), lambda i: (0,)),
    ],
    out_shape=[
        jax.ShapeDtypeStruct((_E,), jnp.float32),
        jax.ShapeDtypeStruct((_E,), jnp.float32),
    ],
)

_TILES = 16
_EPT = _E // _TILES
_CHUNK = 10000
_NSUB = _EPT // _CHUNK
_GRP = _CHUNK // 16
_NPAD = 51200
_SLICE = _NPAD // _TILES
_SV = _SLICE // 16

_sc_mesh = plsc.VectorSubcoreMesh(core_axis_name="c", subcore_axis_name="s")


@functools.partial(
    pl.kernel,
    out_type=jax.ShapeDtypeStruct((2 * _EP,), jnp.float32),
    mesh=_sc_mesh,
    compiler_params=pltpu.CompilerParams(needs_layout_passes=False),
    scratch_types=[
        pltpu.VMEM((_NPAD,), jnp.float32),
        pltpu.VMEM((_CHUNK,), jnp.int32),
        pltpu.VMEM((_CHUNK,), jnp.float32),
        pltpu.VMEM((_CHUNK,), jnp.float32),
        pltpu.VMEM((_CHUNK,), jnp.float32),
        pltpu.VMEM((_SLICE,), jnp.float32),
        pltpu.VMEM((_SLICE,), jnp.float32),
        pltpu.VMEM_SHARED((_TILES // 2, _NPAD), jnp.float32),
        pltpu.VMEM_SHARED((_NPAD,), jnp.float32),
    ],
)
def _sc_softmax_coef(er_hbm, et_hbm, row_hbm, coef_hbm,
                     table, idxb, valr, valt, coefb, acc, tmp, stage, total):
    cid = lax.axis_index("c")
    sid = lax.axis_index("s")
    is_rel = (jnp.zeros((16,), jnp.int32) + cid) == 0

    zeros = jnp.zeros((16,), jnp.float32)

    def _zero(i, c):
        table[pl.ds(i * 16, 16)] = zeros
        return c

    lax.fori_loop(0, _NPAD // 16, _zero, 0)

    def _load_chunk(c):
        base = sid * _EPT + c * _CHUNK
        pltpu.sync_copy(row_hbm.at[pl.ds(base, _CHUNK)], idxb)
        pltpu.sync_copy(er_hbm.at[pl.ds(base, _CHUNK)], valr)
        pltpu.sync_copy(et_hbm.at[pl.ds(base, _CHUNK)], valt)
        return base

    for c in range(_NSUB):
        _load_chunk(c)

        def _scat(g, cc):
            s = pl.ds(g * 16, 16)
            v = jnp.where(is_rel, valr[s], valt[s])
            plsc.addupdate_scatter(table, [idxb[s]], v)
            return cc

        lax.fori_loop(0, _GRP, _scat, 0)

    off = sid * _SLICE
    half = sid // 8
    slot = sid % 8

    def _accum(j, c):
        pltpu.sync_copy(stage.at[j, pl.ds(off, _SLICE)], tmp)

        def _add(k, c2):
            s = pl.ds(k * 16, 16)
            acc[s] = acc[s] + tmp[s]
            return c2

        lax.fori_loop(0, _SV, _add, 0)
        return c

    @pl.when(half == 0)
    def _():
        pltpu.sync_copy(table, stage.at[slot])

    plsc.subcore_barrier()
    pltpu.sync_copy(stage.at[0, pl.ds(off, _SLICE)], acc)
    lax.fori_loop(1, _TILES // 2, _accum, 0)
    plsc.subcore_barrier()

    @pl.when(half == 1)
    def _():
        pltpu.sync_copy(table, stage.at[slot])

    plsc.subcore_barrier()
    lax.fori_loop(0, _TILES // 2, _accum, 0)
    pltpu.sync_copy(acc, total.at[pl.ds(off, _SLICE)])
    plsc.subcore_barrier()
    pltpu.sync_copy(total, table)

    for c in range(_NSUB):
        base = _load_chunk(c)

        def _gath(g, cc):
            s = pl.ds(g * 16, 16)
            sv = plsc.load_gather(table, [idxb[s]])
            v = jnp.where(is_rel, valr[s], valt[s])
            coefb[s] = v / sv
            return cc

        lax.fori_loop(0, _GRP, _gath, 0)
        pltpu.sync_copy(coefb, coef_hbm.at[pl.ds(cid * _EP + base, _CHUNK)])


_ROW2 = 25000
_BK2 = 1000
_G2 = _ROW2 // _BK2


def _tc_scale_body(n_ref, cr_ref, ct_ref, or_ref, ot_ref):
    i0 = lax.broadcasted_iota(jnp.int32, (32, 1024), 0)
    i1 = lax.broadcasted_iota(jnp.int32, (32, 1024), 1)
    expand = (i1 // 32 == i0).astype(jnp.float32)
    n = n_ref[...]
    cr = jnp.dot(cr_ref[...], expand, preferred_element_type=jnp.float32,
                 precision=lax.Precision.HIGHEST)
    ct = jnp.dot(ct_ref[...], expand, preferred_element_type=jnp.float32,
                 precision=lax.Precision.HIGHEST)
    or_ref[...] = n * cr
    ot_ref[...] = n * ct


_tc_scale = pl.pallas_call(
    _tc_scale_body,
    grid=(_G2,),
    in_specs=[
        pl.BlockSpec((_BK2, 1024), lambda i: (i, 0)),
        pl.BlockSpec((_BK2, 32), lambda i: (i, 0)),
        pl.BlockSpec((_BK2, 32), lambda i: (i + _ROW2 // _BK2, 0)),
    ],
    out_specs=[
        pl.BlockSpec((_BK2, 1024), lambda i: (i, 0)),
        pl.BlockSpec((_BK2, 1024), lambda i: (i, 0)),
    ],
    out_shape=[
        jax.ShapeDtypeStruct((_ROW2, 1024), jnp.float32),
        jax.ShapeDtypeStruct((_ROW2, 1024), jnp.float32),
    ],
)

def kernel(xr, xt, selfs, neighs, edge_index, W_rel, b_rel, W_time, b_time):
    del selfs
    e_rel, e_time = _tc_logits(xr, W_rel.reshape(1, 3 * _EMB),
                               b_rel.reshape(1, 1),
                               xt, W_time.reshape(1, 3 * _EMB),
                               b_time.reshape(1, 1))
    row = edge_index[0]
    coef = _sc_softmax_coef(e_rel, e_time, row)
    out_rel, out_time = _tc_scale(
        neighs.reshape(_ROW2, 1024), coef.reshape(2 * _ROW2, 32),
        coef.reshape(2 * _ROW2, 32))
    return (out_rel.reshape(_E, _EMB), out_time.reshape(_E, _EMB))

# --- scband reference (transcript-rebuilt; emitter-appended) ---
"""Pipeline reference for scband-hetero-time-gat-21337397526698 (READ-ONLY COPY).

The authoritative reference and input builder live on the scoring server;
editing this copy changes nothing except your own understanding.
"""

import jax, jax.numpy as jnp
import numpy as np

N_NODES = 50000
N_EDGES = 800000
EMB = 32


def setup_inputs(seed: int = 0) -> dict:
    key = jax.random.key(seed)
    ks = jax.random.split(key, 10)
    xr = jax.random.normal(ks[0], (N_EDGES, 3 * EMB), dtype=jnp.float32)
    xt = jax.random.normal(ks[1], (N_EDGES, 3 * EMB), dtype=jnp.float32)
    selfs = jax.random.normal(ks[2], (N_NODES, EMB), dtype=jnp.float32)
    neighs = jax.random.normal(ks[3], (N_EDGES, EMB), dtype=jnp.float32)
    edge_index = jax.random.randint(ks[4], (2, N_EDGES), 0, N_NODES, dtype=jnp.int32)
    # Learned params: nn.Linear(emb_size*3, 1) for relation and time attention
    W_rel = jax.random.normal(ks[5], (3 * EMB, 1), dtype=jnp.float32) * 0.05
    b_rel = jnp.zeros((1,), dtype=jnp.float32)
    W_time = jax.random.normal(ks[6], (3 * EMB, 1), dtype=jnp.float32) * 0.05
    b_time = jnp.zeros((1,), dtype=jnp.float32)
    return {"xr": xr, "xt": xt, "selfs": selfs, "neighs": neighs,
            "edge_index": edge_index, "W_rel": W_rel, "b_rel": b_rel,
            "W_time": W_time, "b_time": b_time}


def _segment_softmax(vals, seg, num_segments):
    # sparse softmax along dim 1 of the COO adjacency == softmax over the
    # nonzeros sharing the same row index
    m = jax.ops.segment_max(vals, seg, num_segments=num_segments)
    m = jnp.where(jnp.isfinite(m), m, 0.0)
    e = jnp.exp(vals - m[seg])
    s = jax.ops.segment_sum(e, seg, num_segments=num_segments)
    return e / s[seg]


def reference(xr, xt, selfs, neighs, edge_index, W_rel, b_rel, W_time, b_time):
    row = edge_index[0]
    # attend_relation(xr).view(-1)
    rel_logits = (xr @ W_rel + b_rel).reshape(-1)
    a_rel = _segment_softmax(rel_logits, row, N_NODES)
    att_rel_x = neighs * a_rel[:, None]
    # attend_time(xt).view(-1)
    time_logits = (xt @ W_time + b_time).reshape(-1)
    a_time = _segment_softmax(time_logits, row, N_NODES)
    att_time_x = neighs * a_time[:, None]
    return (att_rel_x, att_time_x)

if __name__ == "__main__":
    import jax
    _d = setup_inputs()
    print(jax.jit(kernel)(*tuple(_d.values())))

</pallas_src>

<mosaic_0001>
#map = affine_map<(d0, d1) -> (0)>
module attributes {stable_mosaic.version = 14 : i64} {
  func.func @_sc_softmax_coef(%arg0: i32, %arg1: i32, %arg2: memref<800000xf32, #tpu.memory_space<hbm>>, %arg3: memref<800000xf32, #tpu.memory_space<hbm>>, %arg4: memref<800000xi32, #tpu.memory_space<hbm>>, %arg5: memref<1600000xf32, #tpu.memory_space<hbm>>, %arg6: memref<51200xf32, #tpu.memory_space<vmem>>, %arg7: memref<10000xi32, #tpu.memory_space<vmem>>, %arg8: memref<10000xf32, #tpu.memory_space<vmem>>, %arg9: memref<10000xf32, #tpu.memory_space<vmem>>, %arg10: memref<10000xf32, #tpu.memory_space<vmem>>, %arg11: memref<3200xf32, #tpu.memory_space<vmem>>, %arg12: memref<3200xf32, #tpu.memory_space<vmem>>, %arg13: memref<8x51200xf32, #tpu.memory_space<vmem_shared>>, %arg14: memref<51200xf32, #tpu.memory_space<vmem_shared>>) attributes {dimension_semantics = [#tpu.dimension_semantics<core_parallel>, #tpu.dimension_semantics<subcore_parallel>], iteration_bounds = array<i64: 2, 16>, scalar_prefetch = 0 : i64, scratch_operands = 9 : i64, tpu.core_type = #tpu.core_type<sc_vector_subcore>, window_params = [{transform_indices = #map}, {transform_indices = #map}, {transform_indices = #map}, {transform_indices = #map}]} {
    %broadcast_in_dim3A = arith.constant 0 : i32
    %broadcast_in_dim3A_0 = vector.broadcast %broadcast_in_dim3A : i32 to vector<16xi32>
    %add3A = vector.broadcast %arg0 : i32 to vector<16xi32>
    %add3A_1 = arith.addi %broadcast_in_dim3A_0, %add3A : vector<16xi32>
    %eq3A = arith.constant 0 : i32
    %eq3A_2 = vector.broadcast %eq3A : i32 to vector<16xi32>
    %eq3A_3 = arith.cmpi eq, %add3A_1, %eq3A_2 : vector<16xi32>
    %broadcast_in_dim3A_4 = arith.constant 0.000000e+00 : f32
    %broadcast_in_dim3A_5 = vector.broadcast %broadcast_in_dim3A_4 : f32 to vector<16xf32>
    %scan3A = arith.constant 0 : i32
    %scan3A_6 = arith.constant 0 : i32
    %scan3A_7 = arith.constant 3200 : i32
    %scan3A_8 = arith.addi %scan3A_6, %scan3A_7 : i32
    %scan3A_9 = arith.constant 1 : i32
    scf.for %scan3A_181 = %scan3A_6 to %scan3A_8 step %scan3A_9  : i32 {
      %mul3A_182 = arith.constant 16 : i32
      %mul3A_183 = arith.muli %scan3A_181, %mul3A_182 : i32
      %swap3A = arith.index_cast %mul3A_183 : i32 to index
      %swap3A_184 = tpu.vector_load %arg6[%swap3A] {strides = array<i32>} : memref<51200xf32, #tpu.memory_space<vmem>>, vector<16xf32>,
      tpu.vector_store %arg6[%swap3A], %broadcast_in_dim3A_5 {strides = array<i32>} : memref<51200xf32, #tpu.memory_space<vmem>>, vector<16xf32>,
    }
    %scan3A_10 = arith.constant 3200 : i32
    %mul3A = arith.constant 50000 : i32
    %mul3A_11 = arith.muli %arg1, %mul3A : i32
    %add3A_12 = arith.constant 0 : i32
    %add3A_13 = arith.addi %mul3A_11, %add3A_12 : i32
    "tpu.region"() ({
      %run_scoped3A_181 = tpu.sem_alloc : memref<!tpu.dma_semaphore, #tpu.memory_space<semaphore_mem>>
      %dma_start3A = tpu.memref_slice %arg4[%add3A_13] : memref<800000xi32, #tpu.memory_space<hbm>> -> memref<10000xi32, #tpu.memory_space<hbm>>
      %dma_start3A_182 = tpu.memref_slice %arg4[%add3A_13] : memref<800000xi32, #tpu.memory_space<hbm>> -> memref<10000xi32, #tpu.memory_space<hbm>>
      tpu.enqueue_dma source(%dma_start3A_182 : memref<10000xi32, #tpu.memory_space<hbm>>) target(%arg7 : memref<10000xi32, #tpu.memory_space<vmem>>) target_semaphore(%run_scoped3A_181 : memref<!tpu.dma_semaphore, #tpu.memory_space<semaphore_mem>>)
      %dma_wait3A = tpu.memref_slice %arg4[%add3A_13] : memref<800000xi32, #tpu.memory_space<hbm>> -> memref<10000xi32, #tpu.memory_space<hbm>>
      %dma_wait3A_183 = tpu.memref_slice %arg4[%add3A_13] : memref<800000xi32, #tpu.memory_space<hbm>> -> memref<10000xi32, #tpu.memory_space<hbm>>
      tpu.wait_dma2 semaphore(%run_scoped3A_181 : memref<!tpu.dma_semaphore, #tpu.memory_space<semaphore_mem>>) src(%dma_wait3A_183 : memref<10000xi32, #tpu.memory_space<hbm>>) dst(%arg7 : memref<10000xi32, #tpu.memory_space<vmem>>)
      tpu.yield
    }) : () -> ()
    "tpu.region"() ({
      %run_scoped3A_181 = tpu.sem_alloc : memref<!tpu.dma_semaphore, #tpu.memory_space<semaphore_mem>>
      %dma_start3A = tpu.memref_slice %arg2[%add3A_13] : memref<800000xf32, #tpu.memory_space<hbm>> -> memref<10000xf32, #tpu.memory_space<hbm>>
      %dma_start3A_182 = tpu.memref_slice %arg2[%add3A_13] : memref<800000xf32, #tpu.memory_space<hbm>> -> memref<10000xf32, #tpu.memory_space<hbm>>
      tpu.enqueue_dma source(%dma_start3A_182 : memref<10000xf32, #tpu.memory_space<hbm>>) target(%arg8 : memref<10000xf32, #tpu.memory_space<vmem>>) target_semaphore(%run_scoped3A_181 : memref<!tpu.dma_semaphore, #tpu.memory_space<semaphore_mem>>)
      %dma_wait3A = tpu.memref_slice %arg2[%add3A_13] : memref<800000xf32, #tpu.memory_space<hbm>> -> memref<10000xf32, #tpu.memory_space<hbm>>
      %dma_wait3A_183 = tpu.memref_slice %arg2[%add3A_13] : memref<800000xf32, #tpu.memory_space<hbm>> -> memref<10000xf32, #tpu.memory_space<hbm>>
      tpu.wait_dma2 semaphore(%run_scoped3A_181 : memref<!tpu.dma_semaphore, #tpu.memory_space<semaphore_mem>>) src(%dma_wait3A_183 : memref<10000xf32, #tpu.memory_space<hbm>>) dst(%arg8 : memref<10000xf32, #tpu.memory_space<vmem>>)
      tpu.yield
    }) : () -> ()
    "tpu.region"() ({
      %run_scoped3A_181 = tpu.sem_alloc : memref<!tpu.dma_semaphore, #tpu.memory_space<semaphore_mem>>
      %dma_start3A = tpu.memref_slice %arg3[%add3A_13] : memref<800000xf32, #tpu.memory_space<hbm>> -> memref<10000xf32, #tpu.memory_space<hbm>>
      %dma_start3A_182 = tpu.memref_slice %arg3[%add3A_13] : memref<800000xf32, #tpu.memory_space<hbm>> -> memref<10000xf32, #tpu.memory_space<hbm>>
      tpu.enqueue_dma source(%dma_start3A_182 : memref<10000xf32, #tpu.memory_space<hbm>>) target(%arg9 : memref<10000xf32, #tpu.memory_space<vmem>>) target_semaphore(%run_scoped3A_181 : memref<!tpu.dma_semaphore, #tpu.memory_space<semaphore_mem>>)
      %dma_wait3A = tpu.memref_slice %arg3[%add3A_13] : memref<800000xf32, #tpu.memory_space<hbm>> -> memref<10000xf32, #tpu.memory_space<hbm>>
      %dma_wait3A_183 = tpu.memref_slice %arg3[%add3A_13] : memref<800000xf32, #tpu.memory_space<hbm>> -> memref<10000xf32, #tpu.memory_space<hbm>>
      tpu.wait_dma2 semaphore(%run_scoped3A_181 : memref<!tpu.dma_semaphore, #tpu.memory_space<semaphore_mem>>) src(%dma_wait3A_183 : memref<10000xf32, #tpu.memory_space<hbm>>) dst(%arg9 : memref<10000xf32, #tpu.memory_space<vmem>>)
      tpu.yield
    }) : () -> ()
    %scan3A_14 = arith.constant 0 : i32
    %scan3A_15 = arith.constant 0 : i32
    %scan3A_16 = arith.constant 625 : i32
    %scan3A_17 = arith.addi %scan3A_15, %scan3A_16 : i32
    %scan3A_18 = arith.constant 1 : i32
    scf.for %scan3A_181 = %scan3A_15 to %scan3A_17 step %scan3A_18  : i32 {
      %mul3A_182 = arith.constant 16 : i32
      %mul3A_183 = arith.muli %scan3A_181, %mul3A_182 : i32
      %get3A = arith.index_cast %mul3A_183 : i32 to index
      %get3A_184 = tpu.vector_load %arg8[%get3A] {strides = array<i32>} : memref<10000xf32, #tpu.memory_space<vmem>>, vector<16xf32>,
      %get3A_185 = arith.index_cast %mul3A_183 : i32 to index
      %get3A_186 = tpu.vector_load %arg9[%get3A_185] {strides = array<i32>} : memref<10000xf32, #tpu.memory_space<vmem>>, vector<16xf32>,
      %select_n3A_187 = arith.select %eq3A_3, %get3A_184, %get3A_186 : vector<16xi1>, vector<16xf32>
      %get3A_188 = arith.index_cast %mul3A_183 : i32 to index
      %get3A_189 = tpu.vector_load %arg7[%get3A_188] {strides = array<i32>} : memref<10000xi32, #tpu.memory_space<vmem>>, vector<16xi32>,
      tpu.vector_store_idx %arg6[%get3A_189], %select_n3A_187 {add = true} : memref<51200xf32, #tpu.memory_space<vmem>>[vector<16xi32>], vector<16xf32>,
    }
    %scan3A_19 = arith.constant 625 : i32
    %mul3A_20 = arith.constant 50000 : i32
    %mul3A_21 = arith.muli %arg1, %mul3A_20 : i32
    %add3A_22 = arith.constant 10000 : i32
    %add3A_23 = arith.addi %mul3A_21, %add3A_22 : i32
    "tpu.region"() ({
      %run_scoped3A_181 = tpu.sem_alloc : memref<!tpu.dma_semaphore, #tpu.memory_space<semaphore_mem>>
      %dma_start3A = tpu.memref_slice %arg4[%add3A_23] : memref<800000xi32, #tpu.memory_space<hbm>> -> memref<10000xi32, #tpu.memory_space<hbm>>
      %dma_start3A_182 = tpu.memref_slice %arg4[%add3A_23] : memref<800000xi32, #tpu.memory_space<hbm>> -> memref<10000xi32, #tpu.memory_space<hbm>>
      tpu.enqueue_dma source(%dma_start3A_182 : memref<10000xi32, #tpu.memory_space<hbm>>) target(%arg7 : memref<10000xi32, #tpu.memory_space<vmem>>) target_semaphore(%run_scoped3A_181 : memref<!tpu.dma_semaphore, #tpu.memory_space<semaphore_mem>>)
      %dma_wait3A = tpu.memref_slice %arg4[%add3A_23] : memref<800000xi32, #tpu.memory_space<hbm>> -> memref<10000xi32, #tpu.memory_space<hbm>>
      %dma_wait3A_183 = tpu.memref_slice %arg4[%add3A_23] : memref<800000xi32, #tpu.memory_space<hbm>> -> memref<10000xi32, #tpu.memory_space<hbm>>
      tpu.wait_dma2 semaphore(%run_scoped3A_181 : memref<!tpu.dma_semaphore, #tpu.memory_space<semaphore_mem>>) src(%dma_wait3A_183 : memref<10000xi32, #tpu.memory_space<hbm>>) dst(%arg7 : memref<10000xi32, #tpu.memory_space<vmem>>)
      tpu.yield
    }) : () -> ()
    "tpu.region"() ({
      %run_scoped3A_181 = tpu.sem_alloc : memref<!tpu.dma_semaphore, #tpu.memory_space<semaphore_mem>>
      %dma_start3A = tpu.memref_slice %arg2[%add3A_23] : memref<800000xf32, #tpu.memory_space<hbm>> -> memref<10000xf32, #tpu.memory_space<hbm>>
      %dma_start3A_182 = tpu.memref_slice %arg2[%add3A_23] : memref<800000xf32, #tpu.memory_space<hbm>> -> memref<10000xf32, #tpu.memory_space<hbm>>
      tpu.enqueue_dma source(%dma_start3A_182 : memref<10000xf32, #tpu.memory_space<hbm>>) target(%arg8 : memref<10000xf32, #tpu.memory_space<vmem>>) target_semaphore(%run_scoped3A_181 : memref<!tpu.dma_semaphore, #tpu.memory_space<semaphore_mem>>)
      %dma_wait3A = tpu.memref_slice %arg2[%add3A_23] : memref<800000xf32, #tpu.memory_space<hbm>> -> memref<10000xf32, #tpu.memory_space<hbm>>
      %dma_wait3A_183 = tpu.memref_slice %arg2[%add3A_23] : memref<800000xf32, #tpu.memory_space<hbm>> -> memref<10000xf32, #tpu.memory_space<hbm>>
      tpu.wait_dma2 semaphore(%run_scoped3A_181 : memref<!tpu.dma_semaphore, #tpu.memory_space<semaphore_mem>>) src(%dma_wait3A_183 : memref<10000xf32, #tpu.memory_space<hbm>>) dst(%arg8 : memref<10000xf32, #tpu.memory_space<vmem>>)
      tpu.yield
    }) : () -> ()
    "tpu.region"() ({
      %run_scoped3A_181 = tpu.sem_alloc : memref<!tpu.dma_semaphore, #tpu.memory_space<semaphore_mem>>
      %dma_start3A = tpu.memref_slice %arg3[%add3A_23] : memref<800000xf32, #tpu.memory_space<hbm>> -> memref<10000xf32, #tpu.memory_space<hbm>>
      %dma_start3A_182 = tpu.memref_slice %arg3[%add3A_23] : memref<800000xf32, #tpu.memory_space<hbm>> -> memref<10000xf32, #tpu.memory_space<hbm>>
      tpu.enqueue_dma source(%dma_start3A_182 : memref<10000xf32, #tpu.memory_space<hbm>>) target(%arg9 : memref<10000xf32, #tpu.memory_space<vmem>>) target_semaphore(%run_scoped3A_181 : memref<!tpu.dma_semaphore, #tpu.memory_space<semaphore_mem>>)
      %dma_wait3A = tpu.memref_slice %arg3[%add3A_23] : memref<800000xf32, #tpu.memory_space<hbm>> -> memref<10000xf32, #tpu.memory_space<hbm>>
      %dma_wait3A_183 = tpu.memref_slice %arg3[%add3A_23] : memref<800000xf32, #tpu.memory_space<hbm>> -> memref<10000xf32, #tpu.memory_space<hbm>>
      tpu.wait_dma2 semaphore(%run_scoped3A_181 : memref<!tpu.dma_semaphore, #tpu.memory_space<semaphore_mem>>) src(%dma_wait3A_183 : memref<10000xf32, #tpu.memory_space<hbm>>) dst(%arg9 : memref<10000xf32, #tpu.memory_space<vmem>>)
      tpu.yield
    }) : () -> ()
    %scan3A_24 = arith.constant 0 : i32
    %scan3A_25 = arith.constant 0 : i32
    %scan3A_26 = arith.constant 625 : i32
    %scan3A_27 = arith.addi %scan3A_25, %scan3A_26 : i32
    %scan3A_28 = arith.constant 1 : i32
    scf.for %scan3A_181 = %scan3A_25 to %scan3A_27 step %scan3A_28  : i32 {
      %mul3A_182 = arith.constant 16 : i32
      %mul3A_183 = arith.muli %scan3A_181, %mul3A_182 : i32
      %get3A = arith.index_cast %mul3A_183 : i32 to index
      %get3A_184 = tpu.vector_load %arg8[%get3A] {strides = array<i32>} : memref<10000xf32, #tpu.memory_space<vmem>>, vector<16xf32>,
      %get3A_185 = arith.index_cast %mul3A_183 : i32 to index
      %get3A_186 = tpu.vector_load %arg9[%get3A_185] {strides = array<i32>} : memref<10000xf32, #tpu.memory_space<vmem>>, vector<16xf32>,
      %select_n3A_187 = arith.select %eq3A_3, %get3A_184, %get3A_186 : vector<16xi1>, vector<16xf32>
      %get3A_188 = arith.index_cast %mul3A_183 : i32 to index
      %get3A_189 = tpu.vector_load %arg7[%get3A_188] {strides = array<i32>} : memref<10000xi32, #tpu.memory_space<vmem>>, vector<16xi32>,
      tpu.vector_store_idx %arg6[%get3A_189], %select_n3A_187 {add = true} : memref<51200xf32, #tpu.memory_space<vmem>>[vector<16xi32>], vector<16xf32>,
    }
    %scan3A_29 = arith.constant 625 : i32
    %mul3A_30 = arith.constant 50000 : i32
    %mul3A_31 = arith.muli %arg1, %mul3A_30 : i32
    %add3A_32 = arith.constant 20000 : i32
    %add3A_33 = arith.addi %mul3A_31, %add3A_32 : i32
    "tpu.region"() ({
      %run_scoped3A_181 = tpu.sem_alloc : memref<!tpu.dma_semaphore, #tpu.memory_space<semaphore_mem>>
      %dma_start3A = tpu.memref_slice %arg4[%add3A_33] : memref<800000xi32, #tpu.memory_space<hbm>> -> memref<10000xi32, #tpu.memory_space<hbm>>
      %dma_start3A_182 = tpu.memref_slice %arg4[%add3A_33] : memref<800000xi32, #tpu.memory_space<hbm>> -> memref<10000xi32, #tpu.memory_space<hbm>>
      tpu.enqueue_dma source(%dma_start3A_182 : memref<10000xi32, #tpu.memory_space<hbm>>) target(%arg7 : memref<10000xi32, #tpu.memory_space<vmem>>) target_semaphore(%run_scoped3A_181 : memref<!tpu.dma_semaphore, #tpu.memory_space<semaphore_mem>>)
      %dma_wait3A = tpu.memref_slice %arg4[%add3A_33] : memref<800000xi32, #tpu.memory_space<hbm>> -> memref<10000xi32, #tpu.memory_space<hbm>>
      %dma_wait3A_183 = tpu.memref_slice %arg4[%add3A_33] : memref<800000xi32, #tpu.memory_space<hbm>> -> memref<10000xi32, #tpu.memory_space<hbm>>
      tpu.wait_dma2 semaphore(%run_scoped3A_181 : memref<!tpu.dma_semaphore, #tpu.memory_space<semaphore_mem>>) src(%dma_wait3A_183 : memref<10000xi32, #tpu.memory_space<hbm>>) dst(%arg7 : memref<10000xi32, #tpu.memory_space<vmem>>)
      tpu.yield
    }) : () -> ()
    "tpu.region"() ({
      %run_scoped3A_181 = tpu.sem_alloc : memref<!tpu.dma_semaphore, #tpu.memory_space<semaphore_mem>>
      %dma_start3A = tpu.memref_slice %arg2[%add3A_33] : memref<800000xf32, #tpu.memory_space<hbm>> -> memref<10000xf32, #tpu.memory_space<hbm>>
      %dma_start3A_182 = tpu.memref_slice %arg2[%add3A_33] : memref<800000xf32, #tpu.memory_space<hbm>> -> memref<10000xf32, #tpu.memory_space<hbm>>
      tpu.enqueue_dma source(%dma_start3A_182 : memref<10000xf32, #tpu.memory_space<hbm>>) target(%arg8 : memref<10000xf32, #tpu.memory_space<vmem>>) target_semaphore(%run_scoped3A_181 : memref<!tpu.dma_semaphore, #tpu.memory_space<semaphore_mem>>)
      %dma_wait3A = tpu.memref_slice %arg2[%add3A_33] : memref<800000xf32, #tpu.memory_space<hbm>> -> memref<10000xf32, #tpu.memory_space<hbm>>
      %dma_wait3A_183 = tpu.memref_slice %arg2[%add3A_33] : memref<800000xf32, #tpu.memory_space<hbm>> -> memref<10000xf32, #tpu.memory_space<hbm>>
      tpu.wait_dma2 semaphore(%run_scoped3A_181 : memref<!tpu.dma_semaphore, #tpu.memory_space<semaphore_mem>>) src(%dma_wait3A_183 : memref<10000xf32, #tpu.memory_space<hbm>>) dst(%arg8 : memref<10000xf32, #tpu.memory_space<vmem>>)
      tpu.yield
    }) : () -> ()
    "tpu.region"() ({
      %run_scoped3A_181 = tpu.sem_alloc : memref<!tpu.dma_semaphore, #tpu.memory_space<semaphore_mem>>
      %dma_start3A = tpu.memref_slice %arg3[%add3A_33] : memref<800000xf32, #tpu.memory_space<hbm>> -> memref<10000xf32, #tpu.memory_space<hbm>>
      %dma_start3A_182 = tpu.memref_slice %arg3[%add3A_33] : memref<800000xf32, #tpu.memory_space<hbm>> -> memref<10000xf32, #tpu.memory_space<hbm>>
      tpu.enqueue_dma source(%dma_start3A_182 : memref<10000xf32, #tpu.memory_space<hbm>>) target(%arg9 : memref<10000xf32, #tpu.memory_space<vmem>>) target_semaphore(%run_scoped3A_181 : memref<!tpu.dma_semaphore, #tpu.memory_space<semaphore_mem>>)
      %dma_wait3A = tpu.memref_slice %arg3[%add3A_33] : memref<800000xf32, #tpu.memory_space<hbm>> -> memref<10000xf32, #tpu.memory_space<hbm>>
      %dma_wait3A_183 = tpu.memref_slice %arg3[%add3A_33] : memref<800000xf32, #tpu.memory_space<hbm>> -> memref<10000xf32, #tpu.memory_space<hbm>>
      tpu.wait_dma2 semaphore(%run_scoped3A_181 : memref<!tpu.dma_semaphore, #tpu.memory_space<semaphore_mem>>) src(%dma_wait3A_183 : memref<10000xf32, #tpu.memory_space<hbm>>) dst(%arg9 : memref<10000xf32, #tpu.memory_space<vmem>>)
      tpu.yield
    }) : () -> ()
    %scan3A_34 = arith.constant 0 : i32
    %scan3A_35 = arith.constant 0 : i32
    %scan3A_36 = arith.constant 625 : i32
    %scan3A_37 = arith.addi %scan3A_35, %scan3A_36 : i32
    %scan3A_38 = arith.constant 1 : i32
    scf.for %scan3A_181 = %scan3A_35 to %scan3A_37 step %scan3A_38  : i32 {
      %mul3A_182 = arith.constant 16 : i32
      %mul3A_183 = arith.muli %scan3A_181, %mul3A_182 : i32
      %get3A = arith.index_cast %mul3A_183 : i32 to index
      %get3A_184 = tpu.vector_load %arg8[%get3A] {strides = array<i32>} : memref<10000xf32, #tpu.memory_space<vmem>>, vector<16xf32>,
      %get3A_185 = arith.index_cast %mul3A_183 : i32 to index
      %get3A_186 = tpu.vector_load %arg9[%get3A_185] {strides = array<i32>} : memref<10000xf32, #tpu.memory_space<vmem>>, vector<16xf32>,
      %select_n3A_187 = arith.select %eq3A_3, %get3A_184, %get3A_186 : vector<16xi1>, vector<16xf32>
      %get3A_188 = arith.index_cast %mul3A_183 : i32 to index
      %get3A_189 = tpu.vector_load %arg7[%get3A_188] {strides = array<i32>} : memref<10000xi32, #tpu.memory_space<vmem>>, vector<16xi32>,
      tpu.vector_store_idx %arg6[%get3A_189], %select_n3A_187 {add = true} : memref<51200xf32, #tpu.memory_space<vmem>>[vector<16xi32>], vector<16xf32>,
    }
    %scan3A_39 = arith.constant 625 : i32
    %mul3A_40 = arith.constant 50000 : i32
    %mul3A_41 = arith.muli %arg1, %mul3A_40 : i32
    %add3A_42 = arith.constant 30000 : i32
    %add3A_43 = arith.addi %mul3A_41, %add3A_42 : i32
    "tpu.region"() ({
      %run_scoped3A_181 = tpu.sem_alloc : memref<!tpu.dma_semaphore, #tpu.memory_space<semaphore_mem>>
      %dma_start3A = tpu.memref_slice %arg4[%add3A_43] : memref<800000xi32, #tpu.memory_space<hbm>> -> memref<10000xi32, #tpu.memory_space<hbm>>
      %dma_start3A_182 = tpu.memref_slice %arg4[%add3A_43] : memref<800000xi32, #tpu.memory_space<hbm>> -> memref<10000xi32, #tpu.memory_space<hbm>>
      tpu.enqueue_dma source(%dma_start3A_182 : memref<10000xi32, #tpu.memory_space<hbm>>) target(%arg7 : memref<10000xi32, #tpu.memory_space<vmem>>) target_semaphore(%run_scoped3A_181 : memref<!tpu.dma_semaphore, #tpu.memory_space<semaphore_mem>>)
      %dma_wait3A = tpu.memref_slice %arg4[%add3A_43] : memref<800000xi32, #tpu.memory_space<hbm>> -> memref<10000xi32, #tpu.memory_space<hbm>>
      %dma_wait3A_183 = tpu.memref_slice %arg4[%add3A_43] : memref<800000xi32, #tpu.memory_space<hbm>> -> memref<10000xi32, #tpu.memory_space<hbm>>
      tpu.wait_dma2 semaphore(%run_scoped3A_181 : memref<!tpu.dma_semaphore, #tpu.memory_space<semaphore_mem>>) src(%dma_wait3A_183 : memref<10000xi32, #tpu.memory_space<hbm>>) dst(%arg7 : memref<10000xi32, #tpu.memory_space<vmem>>)
      tpu.yield
    }) : () -> ()
    "tpu.region"() ({
      %run_scoped3A_181 = tpu.sem_alloc : memref<!tpu.dma_semaphore, #tpu.memory_space<semaphore_mem>>
      %dma_start3A = tpu.memref_slice %arg2[%add3A_43] : memref<800000xf32, #tpu.memory_space<hbm>> -> memref<10000xf32, #tpu.memory_space<hbm>>
      %dma_start3A_182 = tpu.memref_slice %arg2[%add3A_43] : memref<800000xf32, #tpu.memory_space<hbm>> -> memref<10000xf32, #tpu.memory_space<hbm>>
      tpu.enqueue_dma source(%dma_start3A_182 : memref<10000xf32, #tpu.memory_space<hbm>>) target(%arg8 : memref<10000xf32, #tpu.memory_space<vmem>>) target_semaphore(%run_scoped3A_181 : memref<!tpu.dma_semaphore, #tpu.memory_space<semaphore_mem>>)
      %dma_wait3A = tpu.memref_slice %arg2[%add3A_43] : memref<800000xf32, #tpu.memory_space<hbm>> -> memref<10000xf32, #tpu.memory_space<hbm>>
      %dma_wait3A_183 = tpu.memref_slice %arg2[%add3A_43] : memref<800000xf32, #tpu.memory_space<hbm>> -> memref<10000xf32, #tpu.memory_space<hbm>>
      tpu.wait_dma2 semaphore(%run_scoped3A_181 : memref<!tpu.dma_semaphore, #tpu.memory_space<semaphore_mem>>) src(%dma_wait3A_183 : memref<10000xf32, #tpu.memory_space<hbm>>) dst(%arg8 : memref<10000xf32, #tpu.memory_space<vmem>>)
      tpu.yield
    }) : () -> ()
    "tpu.region"() ({
      %run_scoped3A_181 = tpu.sem_alloc : memref<!tpu.dma_semaphore, #tpu.memory_space<semaphore_mem>>
      %dma_start3A = tpu.memref_slice %arg3[%add3A_43] : memref<800000xf32, #tpu.memory_space<hbm>> -> memref<10000xf32, #tpu.memory_space<hbm>>
      %dma_start3A_182 = tpu.memref_slice %arg3[%add3A_43] : memref<800000xf32, #tpu.memory_space<hbm>> -> memref<10000xf32, #tpu.memory_space<hbm>>
      tpu.enqueue_dma source(%dma_start3A_182 : memref<10000xf32, #tpu.memory_space<hbm>>) target(%arg9 : memref<10000xf32, #tpu.memory_space<vmem>>) target_semaphore(%run_scoped3A_181 : memref<!tpu.dma_semaphore, #tpu.memory_space<semaphore_mem>>)
      %dma_wait3A = tpu.memref_slice %arg3[%add3A_43] : memref<800000xf32, #tpu.memory_space<hbm>> -> memref<10000xf32, #tpu.memory_space<hbm>>
      %dma_wait3A_183 = tpu.memref_slice %arg3[%add3A_43] : memref<800000xf32, #tpu.memory_space<hbm>> -> memref<10000xf32, #tpu.memory_space<hbm>>
      tpu.wait_dma2 semaphore(%run_scoped3A_181 : memref<!tpu.dma_semaphore, #tpu.memory_space<semaphore_mem>>) src(%dma_wait3A_183 : memref<10000xf32, #tpu.memory_space<hbm>>) dst(%arg9 : memref<10000xf32, #tpu.memory_space<vmem>>)
      tpu.yield
    }) : () -> ()
    %scan3A_44 = arith.constant 0 : i32
    %scan3A_45 = arith.constant 0 : i32
    %scan3A_46 = arith.constant 625 : i32
    %scan3A_47 = arith.addi %scan3A_45, %scan3A_46 : i32
    %scan3A_48 = arith.constant 1 : i32
    scf.for %scan3A_181 = %scan3A_45 to %scan3A_47 step %scan3A_48  : i32 {
      %mul3A_182 = arith.constant 16 : i32
      %mul3A_183 = arith.muli %scan3A_181, %mul3A_182 : i32
      %get3A = arith.index_cast %mul3A_183 : i32 to index
      %get3A_184 = tpu.vector_load %arg8[%get3A] {strides = array<i32>} : memref<10000xf32, #tpu.memory_space<vmem>>, vector<16xf32>,
      %get3A_185 = arith.index_cast %mul3A_183 : i32 to index
      %get3A_186 = tpu.vector_load %arg9[%get3A_185] {strides = array<i32>} : memref<10000xf32, #tpu.memory_space<vmem>>, vector<16xf32>,
      %select_n3A_187 = arith.select %eq3A_3, %get3A_184, %get3A_186 : vector<16xi1>, vector<16xf32>
      %get3A_188 = arith.index_cast %mul3A_183 : i32 to index
      %get3A_189 = tpu.vector_load %arg7[%get3A_188] {strides = array<i32>} : memref<10000xi32, #tpu.memory_space<vmem>>, vector<16xi32>,
      tpu.vector_store_idx %arg6[%get3A_189], %select_n3A_187 {add = true} : memref<51200xf32, #tpu.memory_space<vmem>>[vector<16xi32>], vector<16xf32>,
    }
    %scan3A_49 = arith.constant 625 : i32
    %mul3A_50 = arith.constant 50000 : i32
    %mul3A_51 = arith.muli %arg1, %mul3A_50 : i32
    %add3A_52 = arith.constant 40000 : i32
    %add3A_53 = arith.addi %mul3A_51, %add3A_52 : i32
    "tpu.region"() ({
      %run_scoped3A_181 = tpu.sem_alloc : memref<!tpu.dma_semaphore, #tpu.memory_space<semaphore_mem>>
      %dma_start3A = tpu.memref_slice %arg4[%add3A_53] : memref<800000xi32, #tpu.memory_space<hbm>> -> memref<10000xi32, #tpu.memory_space<hbm>>
      %dma_start3A_182 = tpu.memref_slice %arg4[%add3A_53] : memref<800000xi32, #tpu.memory_space<hbm>> -> memref<10000xi32, #tpu.memory_space<hbm>>
      tpu.enqueue_dma source(%dma_start3A_182 : memref<10000xi32, #tpu.memory_space<hbm>>) target(%arg7 : memref<10000xi32, #tpu.memory_space<vmem>>) target_semaphore(%run_scoped3A_181 : memref<!tpu.dma_semaphore, #tpu.memory_space<semaphore_mem>>)
      %dma_wait3A = tpu.memref_slice %arg4[%add3A_53] : memref<800000xi32, #tpu.memory_space<hbm>> -> memref<10000xi32, #tpu.memory_space<hbm>>
      %dma_wait3A_183 = tpu.memref_slice %arg4[%add3A_53] : memref<800000xi32, #tpu.memory_space<hbm>> -> memref<10000xi32, #tpu.memory_space<hbm>>
      tpu.wait_dma2 semaphore(%run_scoped3A_181 : memref<!tpu.dma_semaphore, #tpu.memory_space<semaphore_mem>>) src(%dma_wait3A_183 : memref<10000xi32, #tpu.memory_space<hbm>>) dst(%arg7 : memref<10000xi32, #tpu.memory_space<vmem>>)
      tpu.yield
    }) : () -> ()
    "tpu.region"() ({
      %run_scoped3A_181 = tpu.sem_alloc : memref<!tpu.dma_semaphore, #tpu.memory_space<semaphore_mem>>
      %dma_start3A = tpu.memref_slice %arg2[%add3A_53] : memref<800000xf32, #tpu.memory_space<hbm>> -> memref<10000xf32, #tpu.memory_space<hbm>>
      %dma_start3A_182 = tpu.memref_slice %arg2[%add3A_53] : memref<800000xf32, #tpu.memory_space<hbm>> -> memref<10000xf32, #tpu.memory_space<hbm>>
      tpu.enqueue_dma source(%dma_start3A_182 : memref<10000xf32, #tpu.memory_space<hbm>>) target(%arg8 : memref<10000xf32, #tpu.memory_space<vmem>>) target_semaphore(%run_scoped3A_181 : memref<!tpu.dma_semaphore, #tpu.memory_space<semaphore_mem>>)
      %dma_wait3A = tpu.memref_slice %arg2[%add3A_53] : memref<800000xf32, #tpu.memory_space<hbm>> -> memref<10000xf32, #tpu.memory_space<hbm>>
      %dma_wait3A_183 = tpu.memref_slice %arg2[%add3A_53] : memref<800000xf32, #tpu.memory_space<hbm>> -> memref<10000xf32, #tpu.memory_space<hbm>>
      tpu.wait_dma2 semaphore(%run_scoped3A_181 : memref<!tpu.dma_semaphore, #tpu.memory_space<semaphore_mem>>) src(%dma_wait3A_183 : memref<10000xf32, #tpu.memory_space<hbm>>) dst(%arg8 : memref<10000xf32, #tpu.memory_space<vmem>>)
      tpu.yield
    }) : () -> ()
    "tpu.region"() ({
      %run_scoped3A_181 = tpu.sem_alloc : memref<!tpu.dma_semaphore, #tpu.memory_space<semaphore_mem>>
      %dma_start3A = tpu.memref_slice %arg3[%add3A_53] : memref<800000xf32, #tpu.memory_space<hbm>> -> memref<10000xf32, #tpu.memory_space<hbm>>
      %dma_start3A_182 = tpu.memref_slice %arg3[%add3A_53] : memref<800000xf32, #tpu.memory_space<hbm>> -> memref<10000xf32, #tpu.memory_space<hbm>>
      tpu.enqueue_dma source(%dma_start3A_182 : memref<10000xf32, #tpu.memory_space<hbm>>) target(%arg9 : memref<10000xf32, #tpu.memory_space<vmem>>) target_semaphore(%run_scoped3A_181 : memref<!tpu.dma_semaphore, #tpu.memory_space<semaphore_mem>>)
      %dma_wait3A = tpu.memref_slice %arg3[%add3A_53] : memref<800000xf32, #tpu.memory_space<hbm>> -> memref<10000xf32, #tpu.memory_space<hbm>>
      %dma_wait3A_183 = tpu.memref_slice %arg3[%add3A_53] : memref<800000xf32, #tpu.memory_space<hbm>> -> memref<10000xf32, #tpu.memory_space<hbm>>
      tpu.wait_dma2 semaphore(%run_scoped3A_181 : memref<!tpu.dma_semaphore, #tpu.memory_space<semaphore_mem>>) src(%dma_wait3A_183 : memref<10000xf32, #tpu.memory_space<hbm>>) dst(%arg9 : memref<10000xf32, #tpu.memory_space<vmem>>)
      tpu.yield
    }) : () -> ()
    %scan3A_54 = arith.constant 0 : i32
    %scan3A_55 = arith.constant 0 : i32
    %scan3A_56 = arith.constant 625 : i32
    %scan3A_57 = arith.addi %scan3A_55, %scan3A_56 : i32
    %scan3A_58 = arith.constant 1 : i32
    scf.for %scan3A_181 = %scan3A_55 to %scan3A_57 step %scan3A_58  : i32 {
      %mul3A_182 = arith.constant 16 : i32
      %mul3A_183 = arith.muli %scan3A_181, %mul3A_182 : i32
      %get3A = arith.index_cast %mul3A_183 : i32 to index
      %get3A_184 = tpu.vector_load %arg8[%get3A] {strides = array<i32>} : memref<10000xf32, #tpu.memory_space<vmem>>, vector<16xf32>,
      %get3A_185 = arith.index_cast %mul3A_183 : i32 to index
      %get3A_186 = tpu.vector_load %arg9[%get3A_185] {strides = array<i32>} : memref<10000xf32, #tpu.memory_space<vmem>>, vector<16xf32>,
      %select_n3A_187 = arith.select %eq3A_3, %get3A_184, %get3A_186 : vector<16xi1>, vector<16xf32>
      %get3A_188 = arith.index_cast %mul3A_183 : i32 to index
      %get3A_189 = tpu.vector_load %arg7[%get3A_188] {strides = array<i32>} : memref<10000xi32, #tpu.memory_space<vmem>>, vector<16xi32>,
      tpu.vector_store_idx %arg6[%get3A_189], %select_n3A_187 {add = true} : memref<51200xf32, #tpu.memory_space<vmem>>[vector<16xi32>], vector<16xf32>,
    }
    %scan3A_59 = arith.constant 625 : i32
    %mul3A_60 = arith.constant 3200 : i32
    %mul3A_61 = arith.muli %arg1, %mul3A_60 : i32
    %jit3A = arith.constant 8 : i32
    %div3A = arith.divsi %arg1, %jit3A : i32
    %sign3A = arith.constant 0 : i32
    %sign3A_62 = arith.cmpi sgt, %arg1, %sign3A : i32
    %sign3A_63 = arith.extui %sign3A_62 : i1 to i32
    %sign3A_64 = arith.constant 0 : i32
    %sign3A_65 = arith.cmpi slt, %arg1, %sign3A_64 : i32
    %sign3A_66 = arith.extui %sign3A_65 : i1 to i32
    %sign3A_67 = arith.subi %sign3A_63, %sign3A_66 : i32
    %sign3A_68 = arith.constant 0 : i32
    %sign3A_69 = arith.cmpi sgt, %jit3A, %sign3A_68 : i32
    %sign3A_70 = arith.extui %sign3A_69 : i1 to i32
    %sign3A_71 = arith.constant 0 : i32
    %sign3A_72 = arith.cmpi slt, %jit3A, %sign3A_71 : i32
    %sign3A_73 = arith.extui %sign3A_72 : i1 to i32
    %sign3A_74 = arith.subi %sign3A_70, %sign3A_73 : i32
    %ne3A = arith.cmpi ne, %sign3A_67, %sign3A_74 : i32
    %rem3A = arith.remsi %arg1, %jit3A : i32
    %ne3A_75 = arith.constant 0 : i32
    %ne3A_76 = arith.cmpi ne, %rem3A, %ne3A_75 : i32
    %and3A = arith.andi %ne3A, %ne3A_76 : i1
    %sub3A = arith.constant 1 : i32
    %sub3A_77 = arith.subi %div3A, %sub3A : i32
    %select_n3A = arith.select %and3A, %sub3A_77, %div3A : i32
    %jit3A_78 = arith.constant 8 : i32
    %eq3A_79 = arith.constant 0 : i32
    %eq3A_80 = arith.cmpi eq, %jit3A_78, %eq3A_79 : i32
    %jit3A_81 = arith.constant 1 : i32
    %select_n3A_82 = arith.select %eq3A_80, %jit3A_81, %jit3A_78 : i32
    %rem3A_83 = arith.remsi %arg1, %select_n3A_82 : i32
    %ne3A_84 = arith.constant 0 : i32
    %ne3A_85 = arith.cmpi ne, %rem3A_83, %ne3A_84 : i32
    %lt3A = arith.constant 0 : i32
    %lt3A_86 = arith.cmpi slt, %rem3A_83, %lt3A : i32
    %lt3A_87 = arith.constant 0 : i32
    %lt3A_88 = arith.cmpi slt, %select_n3A_82, %lt3A_87 : i32
    %ne3A_89 = arith.xori %lt3A_86, %lt3A_88 : i1
    %and3A_90 = arith.andi %ne3A_89, %ne3A_85 : i1
    %add3A_91 = arith.addi %rem3A_83, %select_n3A_82 : i32
    %select_n3A_92 = arith.select %and3A_90, %add3A_91, %rem3A_83 : i32
    %eq3A_93 = arith.constant 0 : i32
    %eq3A_94 = arith.cmpi eq, %select_n3A, %eq3A_93 : i32
    %convert_element_type3A = arith.extui %eq3A_94 : i1 to i32
    %cond3A = arith.constant 0 : i32
    %cond3A_95 = arith.cmpi ne, %convert_element_type3A, %cond3A : i32
    scf.if %cond3A_95 {
      "tpu.region"() ({
        %run_scoped3A_181 = tpu.sem_alloc : memref<!tpu.dma_semaphore, #tpu.memory_space<semaphore_mem>>
        %dma_start3A = arith.constant 0 : i32
        %dma_start3A_182 = tpu.memref_slice %arg13[%select_n3A_92, %dma_start3A] : memref<8x51200xf32, #tpu.memory_space<vmem_shared>> -> memref<1x51200xf32, #tpu.memory_space<vmem_shared>>
        %dma_start3A_183 = tpu.memref_squeeze %dma_start3A_182 : memref<1x51200xf32, #tpu.memory_space<vmem_shared>> -> memref<51200xf32, #tpu.memory_space<vmem_shared>>
        %dma_start3A_184 = arith.constant 0 : i32
        %dma_start3A_185 = tpu.memref_slice %arg13[%select_n3A_92, %dma_start3A_184] : memref<8x51200xf32, #tpu.memory_space<vmem_shared>> -> memref<1x51200xf32, #tpu.memory_space<vmem_shared>>
        %dma_start3A_186 = tpu.memref_squeeze %dma_start3A_185 : memref<1x51200xf32, #tpu.memory_space<vmem_shared>> -> memref<51200xf32, #tpu.memory_space<vmem_shared>>
        tpu.enqueue_dma source(%arg6 : memref<51200xf32, #tpu.memory_space<vmem>>) target(%dma_start3A_186 : memref<51200xf32, #tpu.memory_space<vmem_shared>>) target_semaphore(%run_scoped3A_181 : memref<!tpu.dma_semaphore, #tpu.memory_space<semaphore_mem>>)
        %dma_wait3A = arith.constant 0 : i32
        %dma_wait3A_187 = tpu.memref_slice %arg13[%select_n3A_92, %dma_wait3A] : memref<8x51200xf32, #tpu.memory_space<vmem_shared>> -> memref<1x51200xf32, #tpu.memory_space<vmem_shared>>
        %dma_wait3A_188 = tpu.memref_squeeze %dma_wait3A_187 : memref<1x51200xf32, #tpu.memory_space<vmem_shared>> -> memref<51200xf32, #tpu.memory_space<vmem_shared>>
        %dma_wait3A_189 = arith.constant 0 : i32
        %dma_wait3A_190 = tpu.memref_slice %arg13[%select_n3A_92, %dma_wait3A_189] : memref<8x51200xf32, #tpu.memory_space<vmem_shared>> -> memref<1x51200xf32, #tpu.memory_space<vmem_shared>>
        %dma_wait3A_191 = tpu.memref_squeeze %dma_wait3A_190 : memref<1x51200xf32, #tpu.memory_space<vmem_shared>> -> memref<51200xf32, #tpu.memory_space<vmem_shared>>
        tpu.wait_dma2 semaphore(%run_scoped3A_181 : memref<!tpu.dma_semaphore, #tpu.memory_space<semaphore_mem>>) src(%arg6 : memref<51200xf32, #tpu.memory_space<vmem>>) dst(%dma_wait3A_191 : memref<51200xf32, #tpu.memory_space<vmem_shared>>)
        tpu.yield
      }) : () -> ()
    } else {
    }
    %barrier3A = arith.constant 0 : index
    tpu.barrier barrier_id(%barrier3A)
    %run_scoped3A = arith.constant 0 : i32
    "tpu.region"() ({
      %run_scoped3A_181 = tpu.sem_alloc : memref<!tpu.dma_semaphore, #tpu.memory_space<semaphore_mem>>
      %dma_start3A = tpu.memref_slice %arg13[%run_scoped3A, %mul3A_61] : memref<8x51200xf32, #tpu.memory_space<vmem_shared>> -> memref<1x3200xf32, #tpu.memory_space<vmem_shared>>
      %dma_start3A_182 = tpu.memref_squeeze %dma_start3A : memref<1x3200xf32, #tpu.memory_space<vmem_shared>> -> memref<3200xf32, #tpu.memory_space<vmem_shared>>
      %dma_start3A_183 = tpu.memref_slice %arg13[%run_scoped3A, %mul3A_61] : memref<8x51200xf32, #tpu.memory_space<vmem_shared>> -> memref<1x3200xf32, #tpu.memory_space<vmem_shared>>
      %dma_start3A_184 = tpu.memref_squeeze %dma_start3A_183 : memref<1x3200xf32, #tpu.memory_space<vmem_shared>> -> memref<3200xf32, #tpu.memory_space<vmem_shared>>
      tpu.enqueue_dma source(%dma_start3A_184 : memref<3200xf32, #tpu.memory_space<vmem_shared>>) target(%arg11 : memref<3200xf32, #tpu.memory_space<vmem>>) target_semaphore(%run_scoped3A_181 : memref<!tpu.dma_semaphore, #tpu.memory_space<semaphore_mem>>)
      %dma_wait3A = tpu.memref_slice %arg13[%run_scoped3A, %mul3A_61] : memref<8x51200xf32, #tpu.memory_space<vmem_shared>> -> memref<1x3200xf32, #tpu.memory_space<vmem_shared>>
      %dma_wait3A_185 = tpu.memref_squeeze %dma_wait3A : memref<1x3200xf32, #tpu.memory_space<vmem_shared>> -> memref<3200xf32, #tpu.memory_space<vmem_shared>>
      %dma_wait3A_186 = tpu.memref_slice %arg13[%run_scoped3A, %mul3A_61] : memref<8x51200xf32, #tpu.memory_space<vmem_shared>> -> memref<1x3200xf32, #tpu.memory_space<vmem_shared>>
      %dma_wait3A_187 = tpu.memref_squeeze %dma_wait3A_186 : memref<1x3200xf32, #tpu.memory_space<vmem_shared>> -> memref<3200xf32, #tpu.memory_space<vmem_shared>>
      tpu.wait_dma2 semaphore(%run_scoped3A_181 : memref<!tpu.dma_semaphore, #tpu.memory_space<semaphore_mem>>) src(%dma_wait3A_187 : memref<3200xf32, #tpu.memory_space<vmem_shared>>) dst(%arg11 : memref<3200xf32, #tpu.memory_space<vmem>>)
      tpu.yield
    }) : () -> ()
    %scan3A_96 = arith.constant 0 : i32
    %scan3A_97 = arith.constant 1 : i32
    %scan3A_98 = arith.constant 7 : i32
    %scan3A_99 = arith.addi %scan3A_97, %scan3A_98 : i32
    %scan3A_100 = arith.constant 1 : i32
    scf.for %scan3A_181 = %scan3A_97 to %scan3A_99 step %scan3A_100  : i32 {
      "tpu.region"() ({
        %run_scoped3A_188 = tpu.sem_alloc : memref<!tpu.dma_semaphore, #tpu.memory_space<semaphore_mem>>
        %dma_start3A = tpu.memref_slice %arg13[%scan3A_181, %mul3A_61] : memref<8x51200xf32, #tpu.memory_space<vmem_shared>> -> memref<1x3200xf32, #tpu.memory_space<vmem_shared>>
        %dma_start3A_189 = tpu.memref_squeeze %dma_start3A : memref<1x3200xf32, #tpu.memory_space<vmem_shared>> -> memref<3200xf32, #tpu.memory_space<vmem_shared>>
        %dma_start3A_190 = tpu.memref_slice %arg13[%scan3A_181, %mul3A_61] : memref<8x51200xf32, #tpu.memory_space<vmem_shared>> -> memref<1x3200xf32, #tpu.memory_space<vmem_shared>>
        %dma_start3A_191 = tpu.memref_squeeze %dma_start3A_190 : memref<1x3200xf32, #tpu.memory_space<vmem_shared>> -> memref<3200xf32, #tpu.memory_space<vmem_shared>>
        tpu.enqueue_dma source(%dma_start3A_191 : memref<3200xf32, #tpu.memory_space<vmem_shared>>) target(%arg12 : memref<3200xf32, #tpu.memory_space<vmem>>) target_semaphore(%run_scoped3A_188 : memref<!tpu.dma_semaphore, #tpu.memory_space<semaphore_mem>>)
        %dma_wait3A = tpu.memref_slice %arg13[%scan3A_181, %mul3A_61] : memref<8x51200xf32, #tpu.memory_space<vmem_shared>> -> memref<1x3200xf32, #tpu.memory_space<vmem_shared>>
        %dma_wait3A_192 = tpu.memref_squeeze %dma_wait3A : memref<1x3200xf32, #tpu.memory_space<vmem_shared>> -> memref<3200xf32, #tpu.memory_space<vmem_shared>>
        %dma_wait3A_193 = tpu.memref_slice %arg13[%scan3A_181, %mul3A_61] : memref<8x51200xf32, #tpu.memory_space<vmem_shared>> -> memref<1x3200xf32, #tpu.memory_space<vmem_shared>>
        %dma_wait3A_194 = tpu.memref_squeeze %dma_wait3A_193 : memref<1x3200xf32, #tpu.memory_space<vmem_shared>> -> memref<3200xf32, #tpu.memory_space<vmem_shared>>
        tpu.wait_dma2 semaphore(%run_scoped3A_188 : memref<!tpu.dma_semaphore, #tpu.memory_space<semaphore_mem>>) src(%dma_wait3A_194 : memref<3200xf32, #tpu.memory_space<vmem_shared>>) dst(%arg12 : memref<3200xf32, #tpu.memory_space<vmem>>)
        tpu.yield
      }) : () -> ()
      %scan3A_182 = arith.constant 0 : i32
      %scan3A_183 = arith.constant 0 : i32
      %scan3A_184 = arith.constant 200 : i32
      %scan3A_185 = arith.addi %scan3A_183, %scan3A_184 : i32
      %scan3A_186 = arith.constant 1 : i32
      scf.for %scan3A_188 = %scan3A_183 to %scan3A_185 step %scan3A_186  : i32 {
        %mul3A_189 = arith.constant 16 : i32
        %mul3A_190 = arith.muli %scan3A_188, %mul3A_189 : i32
        %get3A = arith.index_cast %mul3A_190 : i32 to index
        %get3A_191 = tpu.vector_load %arg11[%get3A] {strides = array<i32>} : memref<3200xf32, #tpu.memory_space<vmem>>, vector<16xf32>,
        %get3A_192 = arith.index_cast %mul3A_190 : i32 to index
        %get3A_193 = tpu.vector_load %arg12[%get3A_192] {strides = array<i32>} : memref<3200xf32, #tpu.memory_space<vmem>>, vector<16xf32>,
        %add3A_194 = arith.addf %get3A_191, %get3A_193 : vector<16xf32>
        %swap3A = arith.index_cast %mul3A_190 : i32 to index
        %swap3A_195 = tpu.vector_load %arg11[%swap3A] {strides = array<i32>} : memref<3200xf32, #tpu.memory_space<vmem>>, vector<16xf32>,
        tpu.vector_store %arg11[%swap3A], %add3A_194 {strides = array<i32>} : memref<3200xf32, #tpu.memory_space<vmem>>, vector<16xf32>,
      }
      %scan3A_187 = arith.constant 200 : i32
    }
    %scan3A_101 = arith.constant 7 : i32
    %barrier3A_102 = arith.constant 0 : index
    tpu.barrier barrier_id(%barrier3A_102)
    %eq3A_103 = arith.constant 1 : i32
    %eq3A_104 = arith.cmpi eq, %select_n3A, %eq3A_103 : i32
    %convert_element_type3A_105 = arith.extui %eq3A_104 : i1 to i32
    %cond3A_106 = arith.constant 0 : i32
    %cond3A_107 = arith.cmpi ne, %convert_element_type3A_105, %cond3A_106 : i32
    scf.if %cond3A_107 {
      "tpu.region"() ({
        %run_scoped3A_181 = tpu.sem_alloc : memref<!tpu.dma_semaphore, #tpu.memory_space<semaphore_mem>>
        %dma_start3A = arith.constant 0 : i32
        %dma_start3A_182 = tpu.memref_slice %arg13[%select_n3A_92, %dma_start3A] : memref<8x51200xf32, #tpu.memory_space<vmem_shared>> -> memref<1x51200xf32, #tpu.memory_space<vmem_shared>>
        %dma_start3A_183 = tpu.memref_squeeze %dma_start3A_182 : memref<1x51200xf32, #tpu.memory_space<vmem_shared>> -> memref<51200xf32, #tpu.memory_space<vmem_shared>>
        %dma_start3A_184 = arith.constant 0 : i32
        %dma_start3A_185 = tpu.memref_slice %arg13[%select_n3A_92, %dma_start3A_184] : memref<8x51200xf32, #tpu.memory_space<vmem_shared>> -> memref<1x51200xf32, #tpu.memory_space<vmem_shared>>
        %dma_start3A_186 = tpu.memref_squeeze %dma_start3A_185 : memref<1x51200xf32, #tpu.memory_space<vmem_shared>> -> memref<51200xf32, #tpu.memory_space<vmem_shared>>
        tpu.enqueue_dma source(%arg6 : memref<51200xf32, #tpu.memory_space<vmem>>) target(%dma_start3A_186 : memref<51200xf32, #tpu.memory_space<vmem_shared>>) target_semaphore(%run_scoped3A_181 : memref<!tpu.dma_semaphore, #tpu.memory_space<semaphore_mem>>)
        %dma_wait3A = arith.constant 0 : i32
        %dma_wait3A_187 = tpu.memref_slice %arg13[%select_n3A_92, %dma_wait3A] : memref<8x51200xf32, #tpu.memory_space<vmem_shared>> -> memref<1x51200xf32, #tpu.memory_space<vmem_shared>>
        %dma_wait3A_188 = tpu.memref_squeeze %dma_wait3A_187 : memref<1x51200xf32, #tpu.memory_space<vmem_shared>> -> memref<51200xf32, #tpu.memory_space<vmem_shared>>
        %dma_wait3A_189 = arith.constant 0 : i32
        %dma_wait3A_190 = tpu.memref_slice %arg13[%select_n3A_92, %dma_wait3A_189] : memref<8x51200xf32, #tpu.memory_space<vmem_shared>> -> memref<1x51200xf32, #tpu.memory_space<vmem_shared>>
        %dma_wait3A_191 = tpu.memref_squeeze %dma_wait3A_190 : memref<1x51200xf32, #tpu.memory_space<vmem_shared>> -> memref<51200xf32, #tpu.memory_space<vmem_shared>>
        tpu.wait_dma2 semaphore(%run_scoped3A_181 : memref<!tpu.dma_semaphore, #tpu.memory_space<semaphore_mem>>) src(%arg6 : memref<51200xf32, #tpu.memory_space<vmem>>) dst(%dma_wait3A_191 : memref<51200xf32, #tpu.memory_space<vmem_shared>>)
        tpu.yield
      }) : () -> ()
    } else {
    }
    %barrier3A_108 = arith.constant 0 : index
    tpu.barrier barrier_id(%barrier3A_108)
    %scan3A_109 = arith.constant 0 : i32
    %scan3A_110 = arith.constant 0 : i32
    %scan3A_111 = arith.constant 8 : i32
    %scan3A_112 = arith.addi %scan3A_110, %scan3A_111 : i32
    %scan3A_113 = arith.constant 1 : i32
    scf.for %scan3A_181 = %scan3A_110 to %scan3A_112 step %scan3A_113  : i32 {
      "tpu.region"() ({
        %run_scoped3A_188 = tpu.sem_alloc : memref<!tpu.dma_semaphore, #tpu.memory_space<semaphore_mem>>
        %dma_start3A = tpu.memref_slice %arg13[%scan3A_181, %mul3A_61] : memref<8x51200xf32, #tpu.memory_space<vmem_shared>> -> memref<1x3200xf32, #tpu.memory_space<vmem_shared>>
        %dma_start3A_189 = tpu.memref_squeeze %dma_start3A : memref<1x3200xf32, #tpu.memory_space<vmem_shared>> -> memref<3200xf32, #tpu.memory_space<vmem_shared>>
        %dma_start3A_190 = tpu.memref_slice %arg13[%scan3A_181, %mul3A_61] : memref<8x51200xf32, #tpu.memory_space<vmem_shared>> -> memref<1x3200xf32, #tpu.memory_space<vmem_shared>>
        %dma_start3A_191 = tpu.memref_squeeze %dma_start3A_190 : memref<1x3200xf32, #tpu.memory_space<vmem_shared>> -> memref<3200xf32, #tpu.memory_space<vmem_shared>>
        tpu.enqueue_dma source(%dma_start3A_191 : memref<3200xf32, #tpu.memory_space<vmem_shared>>) target(%arg12 : memref<3200xf32, #tpu.memory_space<vmem>>) target_semaphore(%run_scoped3A_188 : memref<!tpu.dma_semaphore, #tpu.memory_space<semaphore_mem>>)
        %dma_wait3A = tpu.memref_slice %arg13[%scan3A_181, %mul3A_61] : memref<8x51200xf32, #tpu.memory_space<vmem_shared>> -> memref<1x3200xf32, #tpu.memory_space<vmem_shared>>
        %dma_wait3A_192 = tpu.memref_squeeze %dma_wait3A : memref<1x3200xf32, #tpu.memory_space<vmem_shared>> -> memref<3200xf32, #tpu.memory_space<vmem_shared>>
        %dma_wait3A_193 = tpu.memref_slice %arg13[%scan3A_181, %mul3A_61] : memref<8x51200xf32, #tpu.memory_space<vmem_shared>> -> memref<1x3200xf32, #tpu.memory_space<vmem_shared>>
        %dma_wait3A_194 = tpu.memref_squeeze %dma_wait3A_193 : memref<1x3200xf32, #tpu.memory_space<vmem_shared>> -> memref<3200xf32, #tpu.memory_space<vmem_shared>>
        tpu.wait_dma2 semaphore(%run_scoped3A_188 : memref<!tpu.dma_semaphore, #tpu.memory_space<semaphore_mem>>) src(%dma_wait3A_194 : memref<3200xf32, #tpu.memory_space<vmem_shared>>) dst(%arg12 : memref<3200xf32, #tpu.memory_space<vmem>>)
        tpu.yield
      }) : () -> ()
      %scan3A_182 = arith.constant 0 : i32
      %scan3A_183 = arith.constant 0 : i32
      %scan3A_184 = arith.constant 200 : i32
      %scan3A_185 = arith.addi %scan3A_183, %scan3A_184 : i32
      %scan3A_186 = arith.constant 1 : i32
      scf.for %scan3A_188 = %scan3A_183 to %scan3A_185 step %scan3A_186  : i32 {
        %mul3A_189 = arith.constant 16 : i32
        %mul3A_190 = arith.muli %scan3A_188, %mul3A_189 : i32
        %get3A = arith.index_cast %mul3A_190 : i32 to index
        %get3A_191 = tpu.vector_load %arg11[%get3A] {strides = array<i32>} : memref<3200xf32, #tpu.memory_space<vmem>>, vector<16xf32>,
        %get3A_192 = arith.index_cast %mul3A_190 : i32 to index
        %get3A_193 = tpu.vector_load %arg12[%get3A_192] {strides = array<i32>} : memref<3200xf32, #tpu.memory_space<vmem>>, vector<16xf32>,
        %add3A_194 = arith.addf %get3A_191, %get3A_193 : vector<16xf32>
        %swap3A = arith.index_cast %mul3A_190 : i32 to index
        %swap3A_195 = tpu.vector_load %arg11[%swap3A] {strides = array<i32>} : memref<3200xf32, #tpu.memory_space<vmem>>, vector<16xf32>,
        tpu.vector_store %arg11[%swap3A], %add3A_194 {strides = array<i32>} : memref<3200xf32, #tpu.memory_space<vmem>>, vector<16xf32>,
      }
      %scan3A_187 = arith.constant 200 : i32
    }
    %scan3A_114 = arith.constant 8 : i32
    "tpu.region"() ({
      %run_scoped3A_181 = tpu.sem_alloc : memref<!tpu.dma_semaphore, #tpu.memory_space<semaphore_mem>>
      %dma_start3A = tpu.memref_slice %arg14[%mul3A_61] : memref<51200xf32, #tpu.memory_space<vmem_shared>> -> memref<3200xf32, #tpu.memory_space<vmem_shared>>
      %dma_start3A_182 = tpu.memref_slice %arg14[%mul3A_61] : memref<51200xf32, #tpu.memory_space<vmem_shared>> -> memref<3200xf32, #tpu.memory_space<vmem_shared>>
      tpu.enqueue_dma source(%arg11 : memref<3200xf32, #tpu.memory_space<vmem>>) target(%dma_start3A_182 : memref<3200xf32, #tpu.memory_space<vmem_shared>>) target_semaphore(%run_scoped3A_181 : memref<!tpu.dma_semaphore, #tpu.memory_space<semaphore_mem>>)
      %dma_wait3A = tpu.memref_slice %arg14[%mul3A_61] : memref<51200xf32, #tpu.memory_space<vmem_shared>> -> memref<3200xf32, #tpu.memory_space<vmem_shared>>
      %dma_wait3A_183 = tpu.memref_slice %arg14[%mul3A_61] : memref<51200xf32, #tpu.memory_space<vmem_shared>> -> memref<3200xf32, #tpu.memory_space<vmem_shared>>
      tpu.wait_dma2 semaphore(%run_scoped3A_181 : memref<!tpu.dma_semaphore, #tpu.memory_space<semaphore_mem>>) src(%arg11 : memref<3200xf32, #tpu.memory_space<vmem>>) dst(%dma_wait3A_183 : memref<3200xf32, #tpu.memory_space<vmem_shared>>)
      tpu.yield
    }) : () -> ()
    %barrier3A_115 = arith.constant 0 : index
    tpu.barrier barrier_id(%barrier3A_115)
    "tpu.region"() ({
      %run_scoped3A_181 = tpu.sem_alloc : memref<!tpu.dma_semaphore, #tpu.memory_space<semaphore_mem>>
      tpu.enqueue_dma source(%arg14 : memref<51200xf32, #tpu.memory_space<vmem_shared>>) target(%arg6 : memref<51200xf32, #tpu.memory_space<vmem>>) target_semaphore(%run_scoped3A_181 : memref<!tpu.dma_semaphore, #tpu.memory_space<semaphore_mem>>)
      tpu.wait_dma2 semaphore(%run_scoped3A_181 : memref<!tpu.dma_semaphore, #tpu.memory_space<semaphore_mem>>) src(%arg14 : memref<51200xf32, #tpu.memory_space<vmem_shared>>) dst(%arg6 : memref<51200xf32, #tpu.memory_space<vmem>>)
      tpu.yield
    }) : () -> ()
    %mul3A_116 = arith.constant 50000 : i32
    %mul3A_117 = arith.muli %arg1, %mul3A_116 : i32
    %add3A_118 = arith.constant 0 : i32
    %add3A_119 = arith.addi %mul3A_117, %add3A_118 : i32
    "tpu.region"() ({
      %run_scoped3A_181 = tpu.sem_alloc : memref<!tpu.dma_semaphore, #tpu.memory_space<semaphore_mem>>
      %dma_start3A = tpu.memref_slice %arg4[%add3A_119] : memref<800000xi32, #tpu.memory_space<hbm>> -> memref<10000xi32, #tpu.memory_space<hbm>>
      %dma_start3A_182 = tpu.memref_slice %arg4[%add3A_119] : memref<800000xi32, #tpu.memory_space<hbm>> -> memref<10000xi32, #tpu.memory_space<hbm>>
      tpu.enqueue_dma source(%dma_start3A_182 : memref<10000xi32, #tpu.memory_space<hbm>>) target(%arg7 : memref<10000xi32, #tpu.memory_space<vmem>>) target_semaphore(%run_scoped3A_181 : memref<!tpu.dma_semaphore, #tpu.memory_space<semaphore_mem>>)
      %dma_wait3A = tpu.memref_slice %arg4[%add3A_119] : memref<800000xi32, #tpu.memory_space<hbm>> -> memref<10000xi32, #tpu.memory_space<hbm>>
      %dma_wait3A_183 = tpu.memref_slice %arg4[%add3A_119] : memref<800000xi32, #tpu.memory_space<hbm>> -> memref<10000xi32, #tpu.memory_space<hbm>>
      tpu.wait_dma2 semaphore(%run_scoped3A_181 : memref<!tpu.dma_semaphore, #tpu.memory_space<semaphore_mem>>) src(%dma_wait3A_183 : memref<10000xi32, #tpu.memory_space<hbm>>) dst(%arg7 : memref<10000xi32, #tpu.memory_space<vmem>>)
      tpu.yield
    }) : () -> ()
    "tpu.region"() ({
      %run_scoped3A_181 = tpu.sem_alloc : memref<!tpu.dma_semaphore, #tpu.memory_space<semaphore_mem>>
      %dma_start3A = tpu.memref_slice %arg2[%add3A_119] : memref<800000xf32, #tpu.memory_space<hbm>> -> memref<10000xf32, #tpu.memory_space<hbm>>
      %dma_start3A_182 = tpu.memref_slice %arg2[%add3A_119] : memref<800000xf32, #tpu.memory_space<hbm>> -> memref<10000xf32, #tpu.memory_space<hbm>>
      tpu.enqueue_dma source(%dma_start3A_182 : memref<10000xf32, #tpu.memory_space<hbm>>) target(%arg8 : memref<10000xf32, #tpu.memory_space<vmem>>) target_semaphore(%run_scoped3A_181 : memref<!tpu.dma_semaphore, #tpu.memory_space<semaphore_mem>>)
      %dma_wait3A = tpu.memref_slice %arg2[%add3A_119] : memref<800000xf32, #tpu.memory_space<hbm>> -> memref<10000xf32, #tpu.memory_space<hbm>>
      %dma_wait3A_183 = tpu.memref_slice %arg2[%add3A_119] : memref<800000xf32, #tpu.memory_space<hbm>> -> memref<10000xf32, #tpu.memory_space<hbm>>
      tpu.wait_dma2 semaphore(%run_scoped3A_181 : memref<!tpu.dma_semaphore, #tpu.memory_space<semaphore_mem>>) src(%dma_wait3A_183 : memref<10000xf32, #tpu.memory_space<hbm>>) dst(%arg8 : memref<10000xf32, #tpu.memory_space<vmem>>)
      tpu.yield
    }) : () -> ()
    "tpu.region"() ({
      %run_scoped3A_181 = tpu.sem_alloc : memref<!tpu.dma_semaphore, #tpu.memory_space<semaphore_mem>>
      %dma_start3A = tpu.memref_slice %arg3[%add3A_119] : memref<800000xf32, #tpu.memory_space<hbm>> -> memref<10000xf32, #tpu.memory_space<hbm>>
      %dma_start3A_182 = tpu.memref_slice %arg3[%add3A_119] : memref<800000xf32, #tpu.memory_space<hbm>> -> memref<10000xf32, #tpu.memory_space<hbm>>
      tpu.enqueue_dma source(%dma_start3A_182 : memref<10000xf32, #tpu.memory_space<hbm>>) target(%arg9 : memref<10000xf32, #tpu.memory_space<vmem>>) target_semaphore(%run_scoped3A_181 : memref<!tpu.dma_semaphore, #tpu.memory_space<semaphore_mem>>)
      %dma_wait3A = tpu.memref_slice %arg3[%add3A_119] : memref<800000xf32, #tpu.memory_space<hbm>> -> memref<10000xf32, #tpu.memory_space<hbm>>
      %dma_wait3A_183 = tpu.memref_slice %arg3[%add3A_119] : memref<800000xf32, #tpu.memory_space<hbm>> -> memref<10000xf32, #tpu.memory_space<hbm>>
      tpu.wait_dma2 semaphore(%run_scoped3A_181 : memref<!tpu.dma_semaphore, #tpu.memory_space<semaphore_mem>>) src(%dma_wait3A_183 : memref<10000xf32, #tpu.memory_space<hbm>>) dst(%arg9 : memref<10000xf32, #tpu.memory_space<vmem>>)
      tpu.yield
    }) : () -> ()
    %scan3A_120 = arith.constant 0 : i32
    %scan3A_121 = arith.constant 0 : i32
    %scan3A_122 = arith.constant 625 : i32
    %scan3A_123 = arith.addi %scan3A_121, %scan3A_122 : i32
    %scan3A_124 = arith.constant 1 : i32
    scf.for %scan3A_181 = %scan3A_121 to %scan3A_123 step %scan3A_124  : i32 {
      %mul3A_182 = arith.constant 16 : i32
      %mul3A_183 = arith.muli %scan3A_181, %mul3A_182 : i32
      %get3A = arith.index_cast %mul3A_183 : i32 to index
      %get3A_184 = tpu.vector_load %arg7[%get3A] {strides = array<i32>} : memref<10000xi32, #tpu.memory_space<vmem>>, vector<16xi32>,
      %gather3A = tpu.vector_load_idx %arg6[%get3A_184] : memref<51200xf32, #tpu.memory_space<vmem>>[vector<16xi32>], vector<16xf32>,
      %get3A_185 = arith.index_cast %mul3A_183 : i32 to index
      %get3A_186 = tpu.vector_load %arg8[%get3A_185] {strides = array<i32>} : memref<10000xf32, #tpu.memory_space<vmem>>, vector<16xf32>,
      %get3A_187 = arith.index_cast %mul3A_183 : i32 to index
      %get3A_188 = tpu.vector_load %arg9[%get3A_187] {strides = array<i32>} : memref<10000xf32, #tpu.memory_space<vmem>>, vector<16xf32>,
      %select_n3A_189 = arith.select %eq3A_3, %get3A_186, %get3A_188 : vector<16xi1>, vector<16xf32>
      %div3A_190 = arith.divf %select_n3A_189, %gather3A : vector<16xf32>
      %swap3A = arith.index_cast %mul3A_183 : i32 to index
      %swap3A_191 = tpu.vector_load %arg10[%swap3A] {strides = array<i32>} : memref<10000xf32, #tpu.memory_space<vmem>>, vector<16xf32>,
      tpu.vector_store %arg10[%swap3A], %div3A_190 {strides = array<i32>} : memref<10000xf32, #tpu.memory_space<vmem>>, vector<16xf32>,
    }
    %scan3A_125 = arith.constant 625 : i32
    %mul3A_126 = arith.constant 800000 : i32
    %mul3A_127 = arith.muli %arg0, %mul3A_126 : i32
    %add3A_128 = arith.addi %mul3A_127, %add3A_119 : i32
    "tpu.region"() ({
      %run_scoped3A_181 = tpu.sem_alloc : memref<!tpu.dma_semaphore, #tpu.memory_space<semaphore_mem>>
      %dma_start3A = tpu.memref_slice %arg5[%add3A_128] : memref<1600000xf32, #tpu.memory_space<hbm>> -> memref<10000xf32, #tpu.memory_space<hbm>>
      %dma_start3A_182 = tpu.memref_slice %arg5[%add3A_128] : memref<1600000xf32, #tpu.memory_space<hbm>> -> memref<10000xf32, #tpu.memory_space<hbm>>
      tpu.enqueue_dma source(%arg10 : memref<10000xf32, #tpu.memory_space<vmem>>) target(%dma_start3A_182 : memref<10000xf32, #tpu.memory_space<hbm>>) target_semaphore(%run_scoped3A_181 : memref<!tpu.dma_semaphore, #tpu.memory_space<semaphore_mem>>)
      %dma_wait3A = tpu.memref_slice %arg5[%add3A_128] : memref<1600000xf32, #tpu.memory_space<hbm>> -> memref<10000xf32, #tpu.memory_space<hbm>>
      %dma_wait3A_183 = tpu.memref_slice %arg5[%add3A_128] : memref<1600000xf32, #tpu.memory_space<hbm>> -> memref<10000xf32, #tpu.memory_space<hbm>>
      tpu.wait_dma2 semaphore(%run_scoped3A_181 : memref<!tpu.dma_semaphore, #tpu.memory_space<semaphore_mem>>) src(%arg10 : memref<10000xf32, #tpu.memory_space<vmem>>) dst(%dma_wait3A_183 : memref<10000xf32, #tpu.memory_space<hbm>>)
      tpu.yield
    }) : () -> ()
    %mul3A_129 = arith.constant 50000 : i32
    %mul3A_130 = arith.muli %arg1, %mul3A_129 : i32
    %add3A_131 = arith.constant 10000 : i32
    %add3A_132 = arith.addi %mul3A_130, %add3A_131 : i32
    "tpu.region"() ({
      %run_scoped3A_181 = tpu.sem_alloc : memref<!tpu.dma_semaphore, #tpu.memory_space<semaphore_mem>>
      %dma_start3A = tpu.memref_slice %arg4[%add3A_132] : memref<800000xi32, #tpu.memory_space<hbm>> -> memref<10000xi32, #tpu.memory_space<hbm>>
      %dma_start3A_182 = tpu.memref_slice %arg4[%add3A_132] : memref<800000xi32, #tpu.memory_space<hbm>> -> memref<10000xi32, #tpu.memory_space<hbm>>
      tpu.enqueue_dma source(%dma_start3A_182 : memref<10000xi32, #tpu.memory_space<hbm>>) target(%arg7 : memref<10000xi32, #tpu.memory_space<vmem>>) target_semaphore(%run_scoped3A_181 : memref<!tpu.dma_semaphore, #tpu.memory_space<semaphore_mem>>)
      %dma_wait3A = tpu.memref_slice %arg4[%add3A_132] : memref<800000xi32, #tpu.memory_space<hbm>> -> memref<10000xi32, #tpu.memory_space<hbm>>
      %dma_wait3A_183 = tpu.memref_slice %arg4[%add3A_132] : memref<800000xi32, #tpu.memory_space<hbm>> -> memref<10000xi32, #tpu.memory_space<hbm>>
      tpu.wait_dma2 semaphore(%run_scoped3A_181 : memref<!tpu.dma_semaphore, #tpu.memory_space<semaphore_mem>>) src(%dma_wait3A_183 : memref<10000xi32, #tpu.memory_space<hbm>>) dst(%arg7 : memref<10000xi32, #tpu.memory_space<vmem>>)
      tpu.yield
    }) : () -> ()
    "tpu.region"() ({
      %run_scoped3A_181 = tpu.sem_alloc : memref<!tpu.dma_semaphore, #tpu.memory_space<semaphore_mem>>
      %dma_start3A = tpu.memref_slice %arg2[%add3A_132] : memref<800000xf32, #tpu.memory_space<hbm>> -> memref<10000xf32, #tpu.memory_space<hbm>>
      %dma_start3A_182 = tpu.memref_slice %arg2[%add3A_132] : memref<800000xf32, #tpu.memory_space<hbm>> -> memref<10000xf32, #tpu.memory_space<hbm>>
      tpu.enqueue_dma source(%dma_start3A_182 : memref<10000xf32, #tpu.memory_space<hbm>>) target(%arg8 : memref<10000xf32, #tpu.memory_space<vmem>>) target_semaphore(%run_scoped3A_181 : memref<!tpu.dma_semaphore, #tpu.memory_space<semaphore_mem>>)
      %dma_wait3A = tpu.memref_slice %arg2[%add3A_132] : memref<800000xf32, #tpu.memory_space<hbm>> -> memref<10000xf32, #tpu.memory_space<hbm>>
      %dma_wait3A_183 = tpu.memref_slice %arg2[%add3A_132] : memref<800000xf32, #tpu.memory_space<hbm>> -> memref<10000xf32, #tpu.memory_space<hbm>>
      tpu.wait_dma2 semaphore(%run_scoped3A_181 : memref<!tpu.dma_semaphore, #tpu.memory_space<semaphore_mem>>) src(%dma_wait3A_183 : memref<10000xf32, #tpu.memory_space<hbm>>) dst(%arg8 : memref<10000xf32, #tpu.memory_space<vmem>>)
      tpu.yield
    }) : () -> ()
    "tpu.region"() ({
      %run_scoped3A_181 = tpu.sem_alloc : memref<!tpu.dma_semaphore, #tpu.memory_space<semaphore_mem>>
      %dma_start3A = tpu.memref_slice %arg3[%add3A_132] : memref<800000xf32, #tpu.memory_space<hbm>> -> memref<10000xf32, #tpu.memory_space<hbm>>
      %dma_start3A_182 = tpu.memref_slice %arg3[%add3A_132] : memref<800000xf32, #tpu.memory_space<hbm>> -> memref<10000xf32, #tpu.memory_space<hbm>>
      tpu.enqueue_dma source(%dma_start3A_182 : memref<10000xf32, #tpu.memory_space<hbm>>) target(%arg9 : memref<10000xf32, #tpu.memory_space<vmem>>) target_semaphore(%run_scoped3A_181 : memref<!tpu.dma_semaphore, #tpu.memory_space<semaphore_mem>>)
      %dma_wait3A = tpu.memref_slice %arg3[%add3A_132] : memref<800000xf32, #tpu.memory_space<hbm>> -> memref<10000xf32, #tpu.memory_space<hbm>>
      %dma_wait3A_183 = tpu.memref_slice %arg3[%add3A_132] : memref<800000xf32, #tpu.memory_space<hbm>> -> memref<10000xf32, #tpu.memory_space<hbm>>
      tpu.wait_dma2 semaphore(%run_scoped3A_181 : memref<!tpu.dma_semaphore, #tpu.memory_space<semaphore_mem>>) src(%dma_wait3A_183 : memref<10000xf32, #tpu.memory_space<hbm>>) dst(%arg9 : memref<10000xf32, #tpu.memory_space<vmem>>)
      tpu.yield
    }) : () -> ()
    %scan3A_133 = arith.constant 0 : i32
    %scan3A_134 = arith.constant 0 : i32
    %scan3A_135 = arith.constant 625 : i32
    %scan3A_136 = arith.addi %scan3A_134, %scan3A_135 : i32
    %scan3A_137 = arith.constant 1 : i32
    scf.for %scan3A_181 = %scan3A_134 to %scan3A_136 step %scan3A_137  : i32 {
      %mul3A_182 = arith.constant 16 : i32
      %mul3A_183 = arith.muli %scan3A_181, %mul3A_182 : i32
      %get3A = arith.index_cast %mul3A_183 : i32 to index
      %get3A_184 = tpu.vector_load %arg7[%get3A] {strides = array<i32>} : memref<10000xi32, #tpu.memory_space<vmem>>, vector<16xi32>,
      %gather3A = tpu.vector_load_idx %arg6[%get3A_184] : memref<51200xf32, #tpu.memory_space<vmem>>[vector<16xi32>], vector<16xf32>,
      %get3A_185 = arith.index_cast %mul3A_183 : i32 to index
      %get3A_186 = tpu.vector_load %arg8[%get3A_185] {strides = array<i32>} : memref<10000xf32, #tpu.memory_space<vmem>>, vector<16xf32>,
      %get3A_187 = arith.index_cast %mul3A_183 : i32 to index
      %get3A_188 = tpu.vector_load %arg9[%get3A_187] {strides = array<i32>} : memref<10000xf32, #tpu.memory_space<vmem>>, vector<16xf32>,
      %select_n3A_189 = arith.select %eq3A_3, %get3A_186, %get3A_188 : vector<16xi1>, vector<16xf32>
      %div3A_190 = arith.divf %select_n3A_189, %gather3A : vector<16xf32>
      %swap3A = arith.index_cast %mul3A_183 : i32 to index
      %swap3A_191 = tpu.vector_load %arg10[%swap3A] {strides = array<i32>} : memref<10000xf32, #tpu.memory_space<vmem>>, vector<16xf32>,
      tpu.vector_store %arg10[%swap3A], %div3A_190 {strides = array<i32>} : memref<10000xf32, #tpu.memory_space<vmem>>, vector<16xf32>,
    }
    %scan3A_138 = arith.constant 625 : i32
    %mul3A_139 = arith.constant 800000 : i32
    %mul3A_140 = arith.muli %arg0, %mul3A_139 : i32
    %add3A_141 = arith.addi %mul3A_140, %add3A_132 : i32
    "tpu.region"() ({
      %run_scoped3A_181 = tpu.sem_alloc : memref<!tpu.dma_semaphore, #tpu.memory_space<semaphore_mem>>
      %dma_start3A = tpu.memref_slice %arg5[%add3A_141] : memref<1600000xf32, #tpu.memory_space<hbm>> -> memref<10000xf32, #tpu.memory_space<hbm>>
      %dma_start3A_182 = tpu.memref_slice %arg5[%add3A_141] : memref<1600000xf32, #tpu.memory_space<hbm>> -> memref<10000xf32, #tpu.memory_space<hbm>>
      tpu.enqueue_dma source(%arg10 : memref<10000xf32, #tpu.memory_space<vmem>>) target(%dma_start3A_182 : memref<10000xf32, #tpu.memory_space<hbm>>) target_semaphore(%run_scoped3A_181 : memref<!tpu.dma_semaphore, #tpu.memory_space<semaphore_mem>>)
      %dma_wait3A = tpu.memref_slice %arg5[%add3A_141] : memref<1600000xf32, #tpu.memory_space<hbm>> -> memref<10000xf32, #tpu.memory_space<hbm>>
      %dma_wait3A_183 = tpu.memref_slice %arg5[%add3A_141] : memref<1600000xf32, #tpu.memory_space<hbm>> -> memref<10000xf32, #tpu.memory_space<hbm>>
      tpu.wait_dma2 semaphore(%run_scoped3A_181 : memref<!tpu.dma_semaphore, #tpu.memory_space<semaphore_mem>>) src(%arg10 : memref<10000xf32, #tpu.memory_space<vmem>>) dst(%dma_wait3A_183 : memref<10000xf32, #tpu.memory_space<hbm>>)
      tpu.yield
    }) : () -> ()
    %mul3A_142 = arith.constant 50000 : i32
    %mul3A_143 = arith.muli %arg1, %mul3A_142 : i32
    %add3A_144 = arith.constant 20000 : i32
    %add3A_145 = arith.addi %mul3A_143, %add3A_144 : i32
    "tpu.region"() ({
      %run_scoped3A_181 = tpu.sem_alloc : memref<!tpu.dma_semaphore, #tpu.memory_space<semaphore_mem>>
      %dma_start3A = tpu.memref_slice %arg4[%add3A_145] : memref<800000xi32, #tpu.memory_space<hbm>> -> memref<10000xi32, #tpu.memory_space<hbm>>
      %dma_start3A_182 = tpu.memref_slice %arg4[%add3A_145] : memref<800000xi32, #tpu.memory_space<hbm>> -> memref<10000xi32, #tpu.memory_space<hbm>>
      tpu.enqueue_dma source(%dma_start3A_182 : memref<10000xi32, #tpu.memory_space<hbm>>) target(%arg7 : memref<10000xi32, #tpu.memory_space<vmem>>) target_semaphore(%run_scoped3A_181 : memref<!tpu.dma_semaphore, #tpu.memory_space<semaphore_mem>>)
      %dma_wait3A = tpu.memref_slice %arg4[%add3A_145] : memref<800000xi32, #tpu.memory_space<hbm>> -> memref<10000xi32, #tpu.memory_space<hbm>>
      %dma_wait3A_183 = tpu.memref_slice %arg4[%add3A_145] : memref<800000xi32, #tpu.memory_space<hbm>> -> memref<10000xi32, #tpu.memory_space<hbm>>
      tpu.wait_dma2 semaphore(%run_scoped3A_181 : memref<!tpu.dma_semaphore, #tpu.memory_space<semaphore_mem>>) src(%dma_wait3A_183 : memref<10000xi32, #tpu.memory_space<hbm>>) dst(%arg7 : memref<10000xi32, #tpu.memory_space<vmem>>)
      tpu.yield
    }) : () -> ()
    "tpu.region"() ({
      %run_scoped3A_181 = tpu.sem_alloc : memref<!tpu.dma_semaphore, #tpu.memory_space<semaphore_mem>>
      %dma_start3A = tpu.memref_slice %arg2[%add3A_145] : memref<800000xf32, #tpu.memory_space<hbm>> -> memref<10000xf32, #tpu.memory_space<hbm>>
      %dma_start3A_182 = tpu.memref_slice %arg2[%add3A_145] : memref<800000xf32, #tpu.memory_space<hbm>> -> memref<10000xf32, #tpu.memory_space<hbm>>
      tpu.enqueue_dma source(%dma_start3A_182 : memref<10000xf32, #tpu.memory_space<hbm>>) target(%arg8 : memref<10000xf32, #tpu.memory_space<vmem>>) target_semaphore(%run_scoped3A_181 : memref<!tpu.dma_semaphore, #tpu.memory_space<semaphore_mem>>)
      %dma_wait3A = tpu.memref_slice %arg2[%add3A_145] : memref<800000xf32, #tpu.memory_space<hbm>> -> memref<10000xf32, #tpu.memory_space<hbm>>
      %dma_wait3A_183 = tpu.memref_slice %arg2[%add3A_145] : memref<800000xf32, #tpu.memory_space<hbm>> -> memref<10000xf32, #tpu.memory_space<hbm>>
      tpu.wait_dma2 semaphore(%run_scoped3A_181 : memref<!tpu.dma_semaphore, #tpu.memory_space<semaphore_mem>>) src(%dma_wait3A_183 : memref<10000xf32, #tpu.memory_space<hbm>>) dst(%arg8 : memref<10000xf32, #tpu.memory_space<vmem>>)
      tpu.yield
    }) : () -> ()
    "tpu.region"() ({
      %run_scoped3A_181 = tpu.sem_alloc : memref<!tpu.dma_semaphore, #tpu.memory_space<semaphore_mem>>
      %dma_start3A = tpu.memref_slice %arg3[%add3A_145] : memref<800000xf32, #tpu.memory_space<hbm>> -> memref<10000xf32, #tpu.memory_space<hbm>>
      %dma_start3A_182 = tpu.memref_slice %arg3[%add3A_145] : memref<800000xf32, #tpu.memory_space<hbm>> -> memref<10000xf32, #tpu.memory_space<hbm>>
      tpu.enqueue_dma source(%dma_start3A_182 : memref<10000xf32, #tpu.memory_space<hbm>>) target(%arg9 : memref<10000xf32, #tpu.memory_space<vmem>>) target_semaphore(%run_scoped3A_181 : memref<!tpu.dma_semaphore, #tpu.memory_space<semaphore_mem>>)
      %dma_wait3A = tpu.memref_slice %arg3[%add3A_145] : memref<800000xf32, #tpu.memory_space<hbm>> -> memref<10000xf32, #tpu.memory_space<hbm>>
      %dma_wait3A_183 = tpu.memref_slice %arg3[%add3A_145] : memref<800000xf32, #tpu.memory_space<hbm>> -> memref<10000xf32, #tpu.memory_space<hbm>>
      tpu.wait_dma2 semaphore(%run_scoped3A_181 : memref<!tpu.dma_semaphore, #tpu.memory_space<semaphore_mem>>) src(%dma_wait3A_183 : memref<10000xf32, #tpu.memory_space<hbm>>) dst(%arg9 : memref<10000xf32, #tpu.memory_space<vmem>>)
      tpu.yield
    }) : () -> ()
    %scan3A_146 = arith.constant 0 : i32
    %scan3A_147 = arith.constant 0 : i32
    %scan3A_148 = arith.constant 625 : i32
    %scan3A_149 = arith.addi %scan3A_147, %scan3A_148 : i32
    %scan3A_150 = arith.constant 1 : i32
    scf.for %scan3A_181 = %scan3A_147 to %scan3A_149 step %scan3A_150  : i32 {
      %mul3A_182 = arith.constant 16 : i32
      %mul3A_183 = arith.muli %scan3A_181, %mul3A_182 : i32
      %get3A = arith.index_cast %mul3A_183 : i32 to index
      %get3A_184 = tpu.vector_load %arg7[%get3A] {strides = array<i32>} : memref<10000xi32, #tpu.memory_space<vmem>>, vector<16xi32>,
      %gather3A = tpu.vector_load_idx %arg6[%get3A_184] : memref<51200xf32, #tpu.memory_space<vmem>>[vector<16xi32>], vector<16xf32>,
      %get3A_185 = arith.index_cast %mul3A_183 : i32 to index
      %get3A_186 = tpu.vector_load %arg8[%get3A_185] {strides = array<i32>} : memref<10000xf32, #tpu.memory_space<vmem>>, vector<16xf32>,
      %get3A_187 = arith.index_cast %mul3A_183 : i32 to index
      %get3A_188 = tpu.vector_load %arg9[%get3A_187] {strides = array<i32>} : memref<10000xf32, #tpu.memory_space<vmem>>, vector<16xf32>,
      %select_n3A_189 = arith.select %eq3A_3, %get3A_186, %get3A_188 : vector<16xi1>, vector<16xf32>
      %div3A_190 = arith.divf %select_n3A_189, %gather3A : vector<16xf32>
      %swap3A = arith.index_cast %mul3A_183 : i32 to index
      %swap3A_191 = tpu.vector_load %arg10[%swap3A] {strides = array<i32>} : memref<10000xf32, #tpu.memory_space<vmem>>, vector<16xf32>,
      tpu.vector_store %arg10[%swap3A], %div3A_190 {strides = array<i32>} : memref<10000xf32, #tpu.memory_space<vmem>>, vector<16xf32>,
    }
    %scan3A_151 = arith.constant 625 : i32
    %mul3A_152 = arith.constant 800000 : i32
    %mul3A_153 = arith.muli %arg0, %mul3A_152 : i32
    %add3A_154 = arith.addi %mul3A_153, %add3A_145 : i32
    "tpu.region"() ({
      %run_scoped3A_181 = tpu.sem_alloc : memref<!tpu.dma_semaphore, #tpu.memory_space<semaphore_mem>>
      %dma_start3A = tpu.memref_slice %arg5[%add3A_154] : memref<1600000xf32, #tpu.memory_space<hbm>> -> memref<10000xf32, #tpu.memory_space<hbm>>
      %dma_start3A_182 = tpu.memref_slice %arg5[%add3A_154] : memref<1600000xf32, #tpu.memory_space<hbm>> -> memref<10000xf32, #tpu.memory_space<hbm>>
      tpu.enqueue_dma source(%arg10 : memref<10000xf32, #tpu.memory_space<vmem>>) target(%dma_start3A_182 : memref<10000xf32, #tpu.memory_space<hbm>>) target_semaphore(%run_scoped3A_181 : memref<!tpu.dma_semaphore, #tpu.memory_space<semaphore_mem>>)
      %dma_wait3A = tpu.memref_slice %arg5[%add3A_154] : memref<1600000xf32, #tpu.memory_space<hbm>> -> memref<10000xf32, #tpu.memory_space<hbm>>
      %dma_wait3A_183 = tpu.memref_slice %arg5[%add3A_154] : memref<1600000xf32, #tpu.memory_space<hbm>> -> memref<10000xf32, #tpu.memory_space<hbm>>
      tpu.wait_dma2 semaphore(%run_scoped3A_181 : memref<!tpu.dma_semaphore, #tpu.memory_space<semaphore_mem>>) src(%arg10 : memref<10000xf32, #tpu.memory_space<vmem>>) dst(%dma_wait3A_183 : memref<10000xf32, #tpu.memory_space<hbm>>)
      tpu.yield
    }) : () -> ()
    %mul3A_155 = arith.constant 50000 : i32
    %mul3A_156 = arith.muli %arg1, %mul3A_155 : i32
    %add3A_157 = arith.constant 30000 : i32
    %add3A_158 = arith.addi %mul3A_156, %add3A_157 : i32
    "tpu.region"() ({
      %run_scoped3A_181 = tpu.sem_alloc : memref<!tpu.dma_semaphore, #tpu.memory_space<semaphore_mem>>
      %dma_start3A = tpu.memref_slice %arg4[%add3A_158] : memref<800000xi32, #tpu.memory_space<hbm>> -> memref<10000xi32, #tpu.memory_space<hbm>>
      %dma_start3A_182 = tpu.memref_slice %arg4[%add3A_158] : memref<800000xi32, #tpu.memory_space<hbm>> -> memref<10000xi32, #tpu.memory_space<hbm>>
      tpu.enqueue_dma source(%dma_start3A_182 : memref<10000xi32, #tpu.memory_space<hbm>>) target(%arg7 : memref<10000xi32, #tpu.memory_space<vmem>>) target_semaphore(%run_scoped3A_181 : memref<!tpu.dma_semaphore, #tpu.memory_space<semaphore_mem>>)
      %dma_wait3A = tpu.memref_slice %arg4[%add3A_158] : memref<800000xi32, #tpu.memory_space<hbm>> -> memref<10000xi32, #tpu.memory_space<hbm>>
      %dma_wait3A_183 = tpu.memref_slice %arg4[%add3A_158] : memref<800000xi32, #tpu.memory_space<hbm>> -> memref<10000xi32, #tpu.memory_space<hbm>>
      tpu.wait_dma2 semaphore(%run_scoped3A_181 : memref<!tpu.dma_semaphore, #tpu.memory_space<semaphore_mem>>) src(%dma_wait3A_183 : memref<10000xi32, #tpu.memory_space<hbm>>) dst(%arg7 : memref<10000xi32, #tpu.memory_space<vmem>>)
      tpu.yield
    }) : () -> ()
    "tpu.region"() ({
      %run_scoped3A_181 = tpu.sem_alloc : memref<!tpu.dma_semaphore, #tpu.memory_space<semaphore_mem>>
      %dma_start3A = tpu.memref_slice %arg2[%add3A_158] : memref<800000xf32, #tpu.memory_space<hbm>> -> memref<10000xf32, #tpu.memory_space<hbm>>
      %dma_start3A_182 = tpu.memref_slice %arg2[%add3A_158] : memref<800000xf32, #tpu.memory_space<hbm>> -> memref<10000xf32, #tpu.memory_space<hbm>>
      tpu.enqueue_dma source(%dma_start3A_182 : memref<10000xf32, #tpu.memory_space<hbm>>) target(%arg8 : memref<10000xf32, #tpu.memory_space<vmem>>) target_semaphore(%run_scoped3A_181 : memref<!tpu.dma_semaphore, #tpu.memory_space<semaphore_mem>>)
      %dma_wait3A = tpu.memref_slice %arg2[%add3A_158] : memref<800000xf32, #tpu.memory_space<hbm>> -> memref<10000xf32, #tpu.memory_space<hbm>>
      %dma_wait3A_183 = tpu.memref_slice %arg2[%add3A_158] : memref<800000xf32, #tpu.memory_space<hbm>> -> memref<10000xf32, #tpu.memory_space<hbm>>
      tpu.wait_dma2 semaphore(%run_scoped3A_181 : memref<!tpu.dma_semaphore, #tpu.memory_space<semaphore_mem>>) src(%dma_wait3A_183 : memref<10000xf32, #tpu.memory_space<hbm>>) dst(%arg8 : memref<10000xf32, #tpu.memory_space<vmem>>)
      tpu.yield
    }) : () -> ()
    "tpu.region"() ({
      %run_scoped3A_181 = tpu.sem_alloc : memref<!tpu.dma_semaphore, #tpu.memory_space<semaphore_mem>>
      %dma_start3A = tpu.memref_slice %arg3[%add3A_158] : memref<800000xf32, #tpu.memory_space<hbm>> -> memref<10000xf32, #tpu.memory_space<hbm>>
      %dma_start3A_182 = tpu.memref_slice %arg3[%add3A_158] : memref<800000xf32, #tpu.memory_space<hbm>> -> memref<10000xf32, #tpu.memory_space<hbm>>
      tpu.enqueue_dma source(%dma_start3A_182 : memref<10000xf32, #tpu.memory_space<hbm>>) target(%arg9 : memref<10000xf32, #tpu.memory_space<vmem>>) target_semaphore(%run_scoped3A_181 : memref<!tpu.dma_semaphore, #tpu.memory_space<semaphore_mem>>)
      %dma_wait3A = tpu.memref_slice %arg3[%add3A_158] : memref<800000xf32, #tpu.memory_space<hbm>> -> memref<10000xf32, #tpu.memory_space<hbm>>
      %dma_wait3A_183 = tpu.memref_slice %arg3[%add3A_158] : memref<800000xf32, #tpu.memory_space<hbm>> -> memref<10000xf32, #tpu.memory_space<hbm>>
      tpu.wait_dma2 semaphore(%run_scoped3A_181 : memref<!tpu.dma_semaphore, #tpu.memory_space<semaphore_mem>>) src(%dma_wait3A_183 : memref<10000xf32, #tpu.memory_space<hbm>>) dst(%arg9 : memref<10000xf32, #tpu.memory_space<vmem>>)
      tpu.yield
    }) : () -> ()
    %scan3A_159 = arith.constant 0 : i32
    %scan3A_160 = arith.constant 0 : i32
    %scan3A_161 = arith.constant 625 : i32
    %scan3A_162 = arith.addi %scan3A_160, %scan3A_161 : i32
    %scan3A_163 = arith.constant 1 : i32
    scf.for %scan3A_181 = %scan3A_160 to %scan3A_162 step %scan3A_163  : i32 {
      %mul3A_182 = arith.constant 16 : i32
      %mul3A_183 = arith.muli %scan3A_181, %mul3A_182 : i32
      %get3A = arith.index_cast %mul3A_183 : i32 to index
      %get3A_184 = tpu.vector_load %arg7[%get3A] {strides = array<i32>} : memref<10000xi32, #tpu.memory_space<vmem>>, vector<16xi32>,
      %gather3A = tpu.vector_load_idx %arg6[%get3A_184] : memref<51200xf32, #tpu.memory_space<vmem>>[vector<16xi32>], vector<16xf32>,
      %get3A_185 = arith.index_cast %mul3A_183 : i32 to index
      %get3A_186 = tpu.vector_load %arg8[%get3A_185] {strides = array<i32>} : memref<10000xf32, #tpu.memory_space<vmem>>, vector<16xf32>,
      %get3A_187 = arith.index_cast %mul3A_183 : i32 to index
      %get3A_188 = tpu.vector_load %arg9[%get3A_187] {strides = array<i32>} : memref<10000xf32, #tpu.memory_space<vmem>>, vector<16xf32>,
      %select_n3A_189 = arith.select %eq3A_3, %get3A_186, %get3A_188 : vector<16xi1>, vector<16xf32>
      %div3A_190 = arith.divf %select_n3A_189, %gather3A : vector<16xf32>
      %swap3A = arith.index_cast %mul3A_183 : i32 to index
      %swap3A_191 = tpu.vector_load %arg10[%swap3A] {strides = array<i32>} : memref<10000xf32, #tpu.memory_space<vmem>>, vector<16xf32>,
      tpu.vector_store %arg10[%swap3A], %div3A_190 {strides = array<i32>} : memref<10000xf32, #tpu.memory_space<vmem>>, vector<16xf32>,
    }
    %scan3A_164 = arith.constant 625 : i32
    %mul3A_165 = arith.constant 800000 : i32
    %mul3A_166 = arith.muli %arg0, %mul3A_165 : i32
    %add3A_167 = arith.addi %mul3A_166, %add3A_158 : i32
    "tpu.region"() ({
      %run_scoped3A_181 = tpu.sem_alloc : memref<!tpu.dma_semaphore, #tpu.memory_space<semaphore_mem>>
      %dma_start3A = tpu.memref_slice %arg5[%add3A_167] : memref<1600000xf32, #tpu.memory_space<hbm>> -> memref<10000xf32, #tpu.memory_space<hbm>>
      %dma_start3A_182 = tpu.memref_slice %arg5[%add3A_167] : memref<1600000xf32, #tpu.memory_space<hbm>> -> memref<10000xf32, #tpu.memory_space<hbm>>
      tpu.enqueue_dma source(%arg10 : memref<10000xf32, #tpu.memory_space<vmem>>) target(%dma_start3A_182 : memref<10000xf32, #tpu.memory_space<hbm>>) target_semaphore(%run_scoped3A_181 : memref<!tpu.dma_semaphore, #tpu.memory_space<semaphore_mem>>)
      %dma_wait3A = tpu.memref_slice %arg5[%add3A_167] : memref<1600000xf32, #tpu.memory_space<hbm>> -> memref<10000xf32, #tpu.memory_space<hbm>>
      %dma_wait3A_183 = tpu.memref_slice %arg5[%add3A_167] : memref<1600000xf32, #tpu.memory_space<hbm>> -> memref<10000xf32, #tpu.memory_space<hbm>>
      tpu.wait_dma2 semaphore(%run_scoped3A_181 : memref<!tpu.dma_semaphore, #tpu.memory_space<semaphore_mem>>) src(%arg10 : memref<10000xf32, #tpu.memory_space<vmem>>) dst(%dma_wait3A_183 : memref<10000xf32, #tpu.memory_space<hbm>>)
      tpu.yield
    }) : () -> ()
    %mul3A_168 = arith.constant 50000 : i32
    %mul3A_169 = arith.muli %arg1, %mul3A_168 : i32
    %add3A_170 = arith.constant 40000 : i32
    %add3A_171 = arith.addi %mul3A_169, %add3A_170 : i32
    "tpu.region"() ({
      %run_scoped3A_181 = tpu.sem_alloc : memref<!tpu.dma_semaphore, #tpu.memory_space<semaphore_mem>>
      %dma_start3A = tpu.memref_slice %arg4[%add3A_171] : memref<800000xi32, #tpu.memory_space<hbm>> -> memref<10000xi32, #tpu.memory_space<hbm>>
      %dma_start3A_182 = tpu.memref_slice %arg4[%add3A_171] : memref<800000xi32, #tpu.memory_space<hbm>> -> memref<10000xi32, #tpu.memory_space<hbm>>
      tpu.enqueue_dma source(%dma_start3A_182 : memref<10000xi32, #tpu.memory_space<hbm>>) target(%arg7 : memref<10000xi32, #tpu.memory_space<vmem>>) target_semaphore(%run_scoped3A_181 : memref<!tpu.dma_semaphore, #tpu.memory_space<semaphore_mem>>)
      %dma_wait3A = tpu.memref_slice %arg4[%add3A_171] : memref<800000xi32, #tpu.memory_space<hbm>> -> memref<10000xi32, #tpu.memory_space<hbm>>
      %dma_wait3A_183 = tpu.memref_slice %arg4[%add3A_171] : memref<800000xi32, #tpu.memory_space<hbm>> -> memref<10000xi32, #tpu.memory_space<hbm>>
      tpu.wait_dma2 semaphore(%run_scoped3A_181 : memref<!tpu.dma_semaphore, #tpu.memory_space<semaphore_mem>>) src(%dma_wait3A_183 : memref<10000xi32, #tpu.memory_space<hbm>>) dst(%arg7 : memref<10000xi32, #tpu.memory_space<vmem>>)
      tpu.yield
    }) : () -> ()
    "tpu.region"() ({
      %run_scoped3A_181 = tpu.sem_alloc : memref<!tpu.dma_semaphore, #tpu.memory_space<semaphore_mem>>
      %dma_start3A = tpu.memref_slice %arg2[%add3A_171] : memref<800000xf32, #tpu.memory_space<hbm>> -> memref<10000xf32, #tpu.memory_space<hbm>>
      %dma_start3A_182 = tpu.memref_slice %arg2[%add3A_171] : memref<800000xf32, #tpu.memory_space<hbm>> -> memref<10000xf32, #tpu.memory_space<hbm>>
      tpu.enqueue_dma source(%dma_start3A_182 : memref<10000xf32, #tpu.memory_space<hbm>>) target(%arg8 : memref<10000xf32, #tpu.memory_space<vmem>>) target_semaphore(%run_scoped3A_181 : memref<!tpu.dma_semaphore, #tpu.memory_space<semaphore_mem>>)
      %dma_wait3A = tpu.memref_slice %arg2[%add3A_171] : memref<800000xf32, #tpu.memory_space<hbm>> -> memref<10000xf32, #tpu.memory_space<hbm>>
      %dma_wait3A_183 = tpu.memref_slice %arg2[%add3A_171] : memref<800000xf32, #tpu.memory_space<hbm>> -> memref<10000xf32, #tpu.memory_space<hbm>>
      tpu.wait_dma2 semaphore(%run_scoped3A_181 : memref<!tpu.dma_semaphore, #tpu.memory_space<semaphore_mem>>) src(%dma_wait3A_183 : memref<10000xf32, #tpu.memory_space<hbm>>) dst(%arg8 : memref<10000xf32, #tpu.memory_space<vmem>>)
      tpu.yield
    }) : () -> ()
    "tpu.region"() ({
      %run_scoped3A_181 = tpu.sem_alloc : memref<!tpu.dma_semaphore, #tpu.memory_space<semaphore_mem>>
      %dma_start3A = tpu.memref_slice %arg3[%add3A_171] : memref<800000xf32, #tpu.memory_space<hbm>> -> memref<10000xf32, #tpu.memory_space<hbm>>
      %dma_start3A_182 = tpu.memref_slice %arg3[%add3A_171] : memref<800000xf32, #tpu.memory_space<hbm>> -> memref<10000xf32, #tpu.memory_space<hbm>>
      tpu.enqueue_dma source(%dma_start3A_182 : memref<10000xf32, #tpu.memory_space<hbm>>) target(%arg9 : memref<10000xf32, #tpu.memory_space<vmem>>) target_semaphore(%run_scoped3A_181 : memref<!tpu.dma_semaphore, #tpu.memory_space<semaphore_mem>>)
      %dma_wait3A = tpu.memref_slice %arg3[%add3A_171] : memref<800000xf32, #tpu.memory_space<hbm>> -> memref<10000xf32, #tpu.memory_space<hbm>>
      %dma_wait3A_183 = tpu.memref_slice %arg3[%add3A_171] : memref<800000xf32, #tpu.memory_space<hbm>> -> memref<10000xf32, #tpu.memory_space<hbm>>
      tpu.wait_dma2 semaphore(%run_scoped3A_181 : memref<!tpu.dma_semaphore, #tpu.memory_space<semaphore_mem>>) src(%dma_wait3A_183 : memref<10000xf32, #tpu.memory_space<hbm>>) dst(%arg9 : memref<10000xf32, #tpu.memory_space<vmem>>)
      tpu.yield
    }) : () -> ()
    %scan3A_172 = arith.constant 0 : i32
    %scan3A_173 = arith.constant 0 : i32
    %scan3A_174 = arith.constant 625 : i32
    %scan3A_175 = arith.addi %scan3A_173, %scan3A_174 : i32
    %scan3A_176 = arith.constant 1 : i32
    scf.for %scan3A_181 = %scan3A_173 to %scan3A_175 step %scan3A_176  : i32 {
      %mul3A_182 = arith.constant 16 : i32
      %mul3A_183 = arith.muli %scan3A_181, %mul3A_182 : i32
      %get3A = arith.index_cast %mul3A_183 : i32 to index
      %get3A_184 = tpu.vector_load %arg7[%get3A] {strides = array<i32>} : memref<10000xi32, #tpu.memory_space<vmem>>, vector<16xi32>,
      %gather3A = tpu.vector_load_idx %arg6[%get3A_184] : memref<51200xf32, #tpu.memory_space<vmem>>[vector<16xi32>], vector<16xf32>,
      %get3A_185 = arith.index_cast %mul3A_183 : i32 to index
      %get3A_186 = tpu.vector_load %arg8[%get3A_185] {strides = array<i32>} : memref<10000xf32, #tpu.memory_space<vmem>>, vector<16xf32>,
      %get3A_187 = arith.index_cast %mul3A_183 : i32 to index
      %get3A_188 = tpu.vector_load %arg9[%get3A_187] {strides = array<i32>} : memref<10000xf32, #tpu.memory_space<vmem>>, vector<16xf32>,
      %select_n3A_189 = arith.select %eq3A_3, %get3A_186, %get3A_188 : vector<16xi1>, vector<16xf32>
      %div3A_190 = arith.divf %select_n3A_189, %gather3A : vector<16xf32>
      %swap3A = arith.index_cast %mul3A_183 : i32 to index
      %swap3A_191 = tpu.vector_load %arg10[%swap3A] {strides = array<i32>} : memref<10000xf32, #tpu.memory_space<vmem>>, vector<16xf32>,
      tpu.vector_store %arg10[%swap3A], %div3A_190 {strides = array<i32>} : memref<10000xf32, #tpu.memory_space<vmem>>, vector<16xf32>,
    }
    %scan3A_177 = arith.constant 625 : i32
    %mul3A_178 = arith.constant 800000 : i32
    %mul3A_179 = arith.muli %arg0, %mul3A_178 : i32
    %add3A_180 = arith.addi %mul3A_179, %add3A_171 : i32
    "tpu.region"() ({
      %run_scoped3A_181 = tpu.sem_alloc : memref<!tpu.dma_semaphore, #tpu.memory_space<semaphore_mem>>
      %dma_start3A = tpu.memref_slice %arg5[%add3A_180] : memref<1600000xf32, #tpu.memory_space<hbm>> -> memref<10000xf32, #tpu.memory_space<hbm>>
      %dma_start3A_182 = tpu.memref_slice %arg5[%add3A_180] : memref<1600000xf32, #tpu.memory_space<hbm>> -> memref<10000xf32, #tpu.memory_space<hbm>>
      tpu.enqueue_dma source(%arg10 : memref<10000xf32, #tpu.memory_space<vmem>>) target(%dma_start3A_182 : memref<10000xf32, #tpu.memory_space<hbm>>) target_semaphore(%run_scoped3A_181 : memref<!tpu.dma_semaphore, #tpu.memory_space<semaphore_mem>>)
      %dma_wait3A = tpu.memref_slice %arg5[%add3A_180] : memref<1600000xf32, #tpu.memory_space<hbm>> -> memref<10000xf32, #tpu.memory_space<hbm>>
      %dma_wait3A_183 = tpu.memref_slice %arg5[%add3A_180] : memref<1600000xf32, #tpu.memory_space<hbm>> -> memref<10000xf32, #tpu.memory_space<hbm>>
      tpu.wait_dma2 semaphore(%run_scoped3A_181 : memref<!tpu.dma_semaphore, #tpu.memory_space<semaphore_mem>>) src(%arg10 : memref<10000xf32, #tpu.memory_space<vmem>>) dst(%dma_wait3A_183 : memref<10000xf32, #tpu.memory_space<hbm>>)
      tpu.yield
    }) : () -> ()
    return
  }
}

module attributes {stable_mosaic.version = 14 : i64} {
  func.func @_tc_logits_body(%arg0: i32, %arg1: memref<16000x96xf32, #tpu.memory_space<vmem>>, %arg2: memref<1x96xf32, #tpu.memory_space<vmem>>, %arg3: memref<1x1xf32, #tpu.memory_space<vmem>>, %arg4: memref<16000x96xf32, #tpu.memory_space<vmem>>, %arg5: memref<1x96xf32, #tpu.memory_space<vmem>>, %arg6: memref<1x1xf32, #tpu.memory_space<vmem>>, %arg7: memref<800000xf32, #tpu.memory_space<vmem>>, %arg8: memref<800000xf32, #tpu.memory_space<vmem>>) attributes {dimension_semantics = [#tpu.dimension_semantics<arbitrary>], iteration_bounds = array<i64: 50>, scalar_prefetch = 0 : i64, scratch_operands = 0 : i64, tpu.core_type = #tpu.core_type<tc>, window_params = [{transform_indices = @transform_0, window_bounds = array<i64: 16000, 96>}, {pipeline_mode = #tpu.pipeline_mode<synchronous>, transform_indices = @transform_1, window_bounds = array<i64: 1, 96>}, {pipeline_mode = #tpu.pipeline_mode<synchronous>, transform_indices = @transform_2, window_bounds = array<i64: 1, 1>}, {transform_indices = @transform_3, window_bounds = array<i64: 16000, 96>}, {pipeline_mode = #tpu.pipeline_mode<synchronous>, transform_indices = @transform_4, window_bounds = array<i64: 1, 96>}, {pipeline_mode = #tpu.pipeline_mode<synchronous>, transform_indices = @transform_5, window_bounds = array<i64: 1, 1>}, {pipeline_mode = #tpu.pipeline_mode<synchronous>, transform_indices = @transform_6, window_bounds = array<i64: 800000>}, {pipeline_mode = #tpu.pipeline_mode<synchronous>, transform_indices = @transform_7, window_bounds = array<i64: 800000>}]} {
    %get3A = arith.constant 0 : index
    %get3A_0 = arith.constant 0 : index
    %get3A_1 = vector.load %arg2[%get3A, %get3A_0] : memref<1x96xf32, #tpu.memory_space<vmem>>, vector<1x96xf32>
    %get3A_2 = arith.constant 0 : index
    %get3A_3 = arith.constant 0 : index
    %get3A_4 = vector.load %arg1[%get3A_2, %get3A_3] : memref<16000x96xf32, #tpu.memory_space<vmem>>, vector<16000x96xf32>
    %dot_general3A = arith.constant dense<0.000000e+00> : vector<1x16000xf32>
    %dot_general3A_5 = tpu.matmul %get3A_1, %get3A_4, %dot_general3A {dimension_numbers = #tpu.dot_dimension_numbers<[1], [1], [0], [0], [0, 0, 1, 0], [], []>, transpose_lhs_hint = false} : vector<1x96xf32>, vector<16000x96xf32>, vector<1x16000xf32> -> vector<1x16000xf32>
    %get3A_6 = arith.constant 0 : index
    %get3A_7 = arith.constant 0 : index
    %get3A_8 = vector.load %arg3[%get3A_6, %get3A_7] : memref<1x1xf32, #tpu.memory_space<vmem>>, vector<1x1xf32>
    %add3A = vector.broadcast %get3A_8 : vector<1x1xf32> to vector<1x16000xf32>
    %add3A_9 = arith.addf %dot_general3A_5, %add3A : vector<1x16000xf32>
    %get3A_10 = arith.constant 0 : index
    %get3A_11 = arith.constant 0 : index
    %get3A_12 = vector.load %arg5[%get3A_10, %get3A_11] : memref<1x96xf32, #tpu.memory_space<vmem>>, vector<1x96xf32>
    %get3A_13 = arith.constant 0 : index
    %get3A_14 = arith.constant 0 : index
    %get3A_15 = vector.load %arg4[%get3A_13, %get3A_14] : memref<16000x96xf32, #tpu.memory_space<vmem>>, vector<16000x96xf32>
    %dot_general3A_16 = arith.constant dense<0.000000e+00> : vector<1x16000xf32>
    %dot_general3A_17 = tpu.matmul %get3A_12, %get3A_15, %dot_general3A_16 {dimension_numbers = #tpu.dot_dimension_numbers<[1], [1], [0], [0], [0, 0, 1, 0], [], []>, transpose_lhs_hint = false} : vector<1x96xf32>, vector<16000x96xf32>, vector<1x16000xf32> -> vector<1x16000xf32>
    %get3A_18 = arith.constant 0 : index
    %get3A_19 = arith.constant 0 : index
    %get3A_20 = vector.load %arg6[%get3A_18, %get3A_19] : memref<1x1xf32, #tpu.memory_space<vmem>>, vector<1x1xf32>
    %add3A_21 = vector.broadcast %get3A_20 : vector<1x1xf32> to vector<1x16000xf32>
    %add3A_22 = arith.addf %dot_general3A_17, %add3A_21 : vector<1x16000xf32>
    %exp3A = math.exp %add3A_9 : vector<1x16000xf32>
    %reshape3A = vector.shape_cast %exp3A : vector<1x16000xf32> to vector<16000xf32>
    %mul3A = arith.constant 16000 : i32
    %mul3A_23 = arith.muli %arg0, %mul3A : i32
    %swap3A = arith.index_cast %mul3A_23 : i32 to index
    %swap3A_24 = vector.load %arg7[%swap3A] : memref<800000xf32, #tpu.memory_space<vmem>>, vector<16000xf32>
    tpu.vector_store %arg7[%swap3A], %reshape3A {strides = array<i32>} : memref<800000xf32, #tpu.memory_space<vmem>>, vector<16000xf32>,
    %exp3A_25 = math.exp %add3A_22 : vector<1x16000xf32>
    %reshape3A_26 = vector.shape_cast %exp3A_25 : vector<1x16000xf32> to vector<16000xf32>
    %mul3A_27 = arith.constant 16000 : i32
    %mul3A_28 = arith.muli %arg0, %mul3A_27 : i32
    %swap3A_29 = arith.index_cast %mul3A_28 : i32 to index
    %swap3A_30 = vector.load %arg8[%swap3A_29] : memref<800000xf32, #tpu.memory_space<vmem>>, vector<16000xf32>
    tpu.vector_store %arg8[%swap3A_29], %reshape3A_26 {strides = array<i32>} : memref<800000xf32, #tpu.memory_space<vmem>>, vector<16000xf32>,
    return
  }
  func.func @transform_0(%arg0: i32) -> (i32, i32) {
    %c0_i32 = arith.constant 0 : i32
    %c0_i32_0 = arith.constant 0 : i32
    return %arg0, %c0_i32 : i32, i32
  }
  func.func @transform_1(%arg0: i32) -> (i32, i32) {
    %c0_i32 = arith.constant 0 : i32
    %c0_i32_0 = arith.constant 0 : i32
    %c0_i32_1 = arith.constant 0 : i32
    return %c0_i32, %c0_i32_0 : i32, i32
  }
  func.func @transform_2(%arg0: i32) -> (i32, i32) {
    %c0_i32 = arith.constant 0 : i32
    %c0_i32_0 = arith.constant 0 : i32
    %c0_i32_1 = arith.constant 0 : i32
    return %c0_i32, %c0_i32_0 : i32, i32
  }
  func.func @transform_3(%arg0: i32) -> (i32, i32) {
    %c0_i32 = arith.constant 0 : i32
    %c0_i32_0 = arith.constant 0 : i32
    return %arg0, %c0_i32 : i32, i32
  }
  func.func @transform_4(%arg0: i32) -> (i32, i32) {
    %c0_i32 = arith.constant 0 : i32
    %c0_i32_0 = arith.constant 0 : i32
    %c0_i32_1 = arith.constant 0 : i32
    return %c0_i32, %c0_i32_0 : i32, i32
  }
  func.func @transform_5(%arg0: i32) -> (i32, i32) {
    %c0_i32 = arith.constant 0 : i32
    %c0_i32_0 = arith.constant 0 : i32
    %c0_i32_1 = arith.constant 0 : i32
    return %c0_i32, %c0_i32_0 : i32, i32
  }
  func.func @transform_6(%arg0: i32) -> i32 {
    %c0_i32 = arith.constant 0 : i32
    %c0_i32_0 = arith.constant 0 : i32
    return %c0_i32 : i32
  }
  func.func @transform_7(%arg0: i32) -> i32 {
    %c0_i32 = arith.constant 0 : i32
    %c0_i32_0 = arith.constant 0 : i32
    return %c0_i32 : i32
  }
}

module attributes {stable_mosaic.version = 14 : i64} {
  func.func @_tc_scale_body(%arg0: i32, %arg1: memref<1000x1024xf32, #tpu.memory_space<vmem>>, %arg2: memref<1000x32xf32, #tpu.memory_space<vmem>>, %arg3: memref<1000x32xf32, #tpu.memory_space<vmem>>, %arg4: memref<1000x1024xf32, #tpu.memory_space<vmem>>, %arg5: memref<1000x1024xf32, #tpu.memory_space<vmem>>) attributes {dimension_semantics = [#tpu.dimension_semantics<arbitrary>], iteration_bounds = array<i64: 25>, scalar_prefetch = 0 : i64, scratch_operands = 0 : i64, tpu.core_type = #tpu.core_type<tc>, window_params = [{transform_indices = @transform_0, window_bounds = array<i64: 1000, 1024>}, {transform_indices = @transform_1, window_bounds = array<i64: 1000, 32>}, {transform_indices = @transform_2, window_bounds = array<i64: 1000, 32>}, {transform_indices = @transform_3, window_bounds = array<i64: 1000, 1024>}, {transform_indices = @transform_4, window_bounds = array<i64: 1000, 1024>}]} {
    %iota3A = tpu.iota {dimensions = array<i32: 0>} : vector<32x1024xi32>
    %iota3A_0 = tpu.iota {dimensions = array<i32: 1>} : vector<32x1024xi32>
    %jit3A = arith.constant 32 : i32
    %div3A = vector.broadcast %jit3A : i32 to vector<32x1024xi32>
    %div3A_1 = arith.divsi %iota3A_0, %div3A : vector<32x1024xi32>
    %sign3A = arith.constant 0 : i32
    %sign3A_2 = vector.broadcast %sign3A : i32 to vector<32x1024xi32>
    %sign3A_3 = arith.cmpi sgt, %iota3A_0, %sign3A_2 : vector<32x1024xi32>
    %sign3A_4 = arith.extui %sign3A_3 : vector<32x1024xi1> to vector<32x1024xi32>
    %sign3A_5 = arith.constant 0 : i32
    %sign3A_6 = vector.broadcast %sign3A_5 : i32 to vector<32x1024xi32>
    %sign3A_7 = arith.cmpi slt, %iota3A_0, %sign3A_6 : vector<32x1024xi32>
    %sign3A_8 = arith.extui %sign3A_7 : vector<32x1024xi1> to vector<32x1024xi32>
    %sign3A_9 = arith.subi %sign3A_4, %sign3A_8 : vector<32x1024xi32>
    %sign3A_10 = arith.constant 0 : i32
    %sign3A_11 = arith.cmpi sgt, %jit3A, %sign3A_10 : i32
    %sign3A_12 = arith.extui %sign3A_11 : i1 to i32
    %sign3A_13 = arith.constant 0 : i32
    %sign3A_14 = arith.cmpi slt, %jit3A, %sign3A_13 : i32
    %sign3A_15 = arith.extui %sign3A_14 : i1 to i32
    %sign3A_16 = arith.subi %sign3A_12, %sign3A_15 : i32
    %ne3A = vector.broadcast %sign3A_16 : i32 to vector<32x1024xi32>
    %ne3A_17 = arith.cmpi ne, %sign3A_9, %ne3A : vector<32x1024xi32>
    %rem3A = vector.broadcast %jit3A : i32 to vector<32x1024xi32>
    %rem3A_18 = arith.remsi %iota3A_0, %rem3A : vector<32x1024xi32>
    %ne3A_19 = arith.constant 0 : i32
    %ne3A_20 = vector.broadcast %ne3A_19 : i32 to vector<32x1024xi32>
    %ne3A_21 = arith.cmpi ne, %rem3A_18, %ne3A_20 : vector<32x1024xi32>
    %and3A = arith.andi %ne3A_17, %ne3A_21 : vector<32x1024xi1>
    %sub3A = arith.constant 1 : i32
    %sub3A_22 = vector.broadcast %sub3A : i32 to vector<32x1024xi32>
    %sub3A_23 = arith.subi %div3A_1, %sub3A_22 : vector<32x1024xi32>
    %select_n3A = arith.select %and3A, %sub3A_23, %div3A_1 : vector<32x1024xi1>, vector<32x1024xi32>
    %eq3A = arith.cmpi eq, %select_n3A, %iota3A : vector<32x1024xi32>
    %convert_element_type3A = arith.extui %eq3A : vector<32x1024xi1> to vector<32x1024xi32>
    %convert_element_type3A_24 = arith.sitofp %convert_element_type3A : vector<32x1024xi32> to vector<32x1024xf32>
    %get3A = arith.constant 0 : index
    %get3A_25 = arith.constant 0 : index
    %get3A_26 = vector.load %arg1[%get3A, %get3A_25] : memref<1000x1024xf32, #tpu.memory_space<vmem>>, vector<1000x1024xf32>
    %get3A_27 = arith.constant 0 : index
    %get3A_28 = arith.constant 0 : index
    %get3A_29 = vector.load %arg2[%get3A_27, %get3A_28] : memref<1000x32xf32, #tpu.memory_space<vmem>>, vector<1000x32xf32>
    %dot_general3A = arith.constant dense<0.000000e+00> : vector<1000x1024xf32>
    %dot_general3A_30 = tpu.matmul %get3A_29, %convert_element_type3A_24, %dot_general3A {dimension_numbers = #tpu.dot_dimension_numbers<[1], [0], [0], [1], [0, 0, 1, 1], [], []>, precision = #tpu.contract_precision<fp32>, transpose_lhs_hint = false} : vector<1000x32xf32>, vector<32x1024xf32>, vector<1000x1024xf32> -> vector<1000x1024xf32>
    %get3A_31 = arith.constant 0 : index
    %get3A_32 = arith.constant 0 : index
    %get3A_33 = vector.load %arg3[%get3A_31, %get3A_32] : memref<1000x32xf32, #tpu.memory_space<vmem>>, vector<1000x32xf32>
    %dot_general3A_34 = arith.constant dense<0.000000e+00> : vector<1000x1024xf32>
    %dot_general3A_35 = tpu.matmul %get3A_33, %convert_element_type3A_24, %dot_general3A_34 {dimension_numbers = #tpu.dot_dimension_numbers<[1], [0], [0], [1], [0, 0, 1, 1], [], []>, precision = #tpu.contract_precision<fp32>, transpose_lhs_hint = false} : vector<1000x32xf32>, vector<32x1024xf32>, vector<1000x1024xf32> -> vector<1000x1024xf32>
    %mul3A = arith.mulf %get3A_26, %dot_general3A_30 : vector<1000x1024xf32>
    %swap3A = arith.constant 0 : index
    %swap3A_36 = arith.constant 0 : index
    %swap3A_37 = vector.load %arg4[%swap3A, %swap3A_36] : memref<1000x1024xf32, #tpu.memory_space<vmem>>, vector<1000x1024xf32>
    tpu.vector_store %arg4[%swap3A, %swap3A_36], %mul3A {strides = array<i32>} : memref<1000x1024xf32, #tpu.memory_space<vmem>>, vector<1000x1024xf32>,
    %mul3A_38 = arith.mulf %get3A_26, %dot_general3A_35 : vector<1000x1024xf32>
    %swap3A_39 = arith.constant 0 : index
    %swap3A_40 = arith.constant 0 : index
    %swap3A_41 = vector.load %arg5[%swap3A_39, %swap3A_40] : memref<1000x1024xf32, #tpu.memory_space<vmem>>, vector<1000x1024xf32>
    tpu.vector_store %arg5[%swap3A_39, %swap3A_40], %mul3A_38 {strides = array<i32>} : memref<1000x1024xf32, #tpu.memory_space<vmem>>, vector<1000x1024xf32>,
    return
  }
  func.func @transform_0(%arg0: i32) -> (i32, i32) {
    %c0_i32 = arith.constant 0 : i32
    %c0_i32_0 = arith.constant 0 : i32
    return %arg0, %c0_i32 : i32, i32
  }
  func.func @transform_1(%arg0: i32) -> (i32, i32) {
    %c0_i32 = arith.constant 0 : i32
    %c0_i32_0 = arith.constant 0 : i32
    return %arg0, %c0_i32 : i32, i32
  }
  func.func @transform_2(%arg0: i32) -> (i32, i32) {
    %add3A = arith.constant 25 : i32
    %add3A_0 = arith.addi %arg0, %add3A : i32
    %c0_i32 = arith.constant 0 : i32
    %c0_i32_1 = arith.constant 0 : i32
    return %add3A_0, %c0_i32 : i32, i32
  }
  func.func @transform_3(%arg0: i32) -> (i32, i32) {
    %c0_i32 = arith.constant 0 : i32
    %c0_i32_0 = arith.constant 0 : i32
    return %arg0, %c0_i32 : i32, i32
  }
  func.func @transform_4(%arg0: i32) -> (i32, i32) {
    %c0_i32 = arith.constant 0 : i32
    %c0_i32_0 = arith.constant 0 : i32
    return %arg0, %c0_i32 : i32, i32
  }
}

</mosaic_0001>

<sc_bundles>
// kernel: kernel.5.cloned.1.call-start
scs
__scs_entry_jumppad:
0x0: {  	(pc) =	sbr.rel $0x88, $3  }
0x1: {  	(tag) =	ssettag $0x0;
	lr =	simm.s32 $0x1  }
0x2: {  	[smem:$0x3F99] =	sst lr;
	_ =	strace $0xD0000000  }
0x3: {  	_ = 	snop  }
0x4: {  	_ = 	snop  }
0x5: {  	_ = 	snop  }
0x6: {  	_ = 	snop  }
0x7: {  	_ = 	snop  }
__scs_overlays_trampoline_lowered:
0x8: {  	[smem:$0x3FA8] =	sst s0  }
0x9: {  	[smem:$0x3FA9] =	sst s1  }
0xa: {  	[smem:$0x3FAA] =	sst s2  }
0xb: {  	[smem:$0x3FAB] =	sst s3  }
0xc: {  	[smem:$0x3FAC] =	sst s4  }
0xd: {  	[smem:$0x3FAD] =	sst s5  }
0xe: {  	[smem:$0x3FAE] =	sst s6  }
0xf: {  	[smem:$0x3FAF] =	sst s7  }
0x10: {  	[smem:$0x3FB0] =	sst s8  }
0x11: {  	[smem:$0x3FB1] =	sst s9;
	s0 =	simm.s32 @!p0 $0x0  }
0x12: {  	s1 =	sld [smem:$0x3F97];
	s0 =	simm.s32 @p0 $0x1  }
0x13: {  	[smem:$0x3FB2] =	sst s0;
	s0 =	simm.s32 @!p1 $0x0  }
0x14: {  	s2 =	sld [smem:$0x3F96];
	s0 =	simm.s32 @p1 $0x1  }
0x15: {  	[smem:$0x3FB3] =	sst s0;
	s0 =	simm.s32 @!p2 $0x0  }
0x16: {  	s3 =	sld [smem:$0x3FDB];
	s0 =	simm.s32 @p2 $0x1  }
0x17: {  	s4 =	simm.s32 $0x1BF5;
	[smem:$0x3FB5] =	sst s0  }
0x18: {  	s0 =	sld [smem:$0x3F98];
	_ =	swait.ge [sflag:s4], $0x0  }
0x19: {  	s7 =	sld [smem:$0x3F99]  }
0x1a: {  	s8 =	sadd.s32 $0xFFFFE003, lr  }
0x1b: {  	s9 =	sadd.s32 $0xFFFFFEF7, lr;
	s5 =	simm.s32 $0xFFFFFFFF;
	p2 =	slt.u32 s8, $0xFFFFF086  }
0x1c: {  	p1 =	slt.u32 s9, $0xF7A;
	s5 =	simm.s32 @!p2 $0x0  }
0x1d: {  	s5 =	simm.s32 @p1 $0x1;
	p0 =	seq.s32 s7, s2  }
0x1e: {  	s7 =	smul.u32 @!p0 $0xF7A, s2;
	p2 =	seq.s32 @!p0 s5, $0x0  }
0x1f: {  	s9 =	smul.u32 $0xF7A, s1;
	s8 =	simm.s32 @!p0 $0x1BF5;
	p2 =	por !p2, p0  }
0x20: {  	[sflag:s8] =	ssyncset.s32 @!p0 $0xFFFFF086;
	s6 =	sadd.s32 @!p0 s3, s7;
	s7 =	simm.s32 @!p0 $0x108  }
0x21: {  	s3 =	sadd.s32 s3, s9;
	s6 =	sadd.s32 @!p0 $0x88, s6;
	s7 =	simm.s32 @p2 $0x1082  }
0x22: {  	[simem:s7], [sflag:s8] =	dma.local @!p0 [hbm:s6], $0xF7A  }
0x23: {  	s9 =	sor.u32 $0xD0000000, s2;
	s6 =	simm.s32 $0x108;
	_ =	swait.ge @!p0 [sflag:s8], $0x0  }
0x24: {  	s3 =	sadd.s32 $0x88, s3;
	s6 =	simm.s32 @!p1 $0x1082;
	[sflag:s4] =	ssyncset.s32 $0xFFFFF086  }
0x25: {  	[simem:s6], [sflag:s4] =	dma.local [hbm:s3], $0xF7A  }
0x26: {  	[smem:$0x3F99] =	sst s1;
	(tag) =	ssettag s2;
	_ =	strace s9  }
0x27: {  	s1 =	sld [smem:$0x3FA9]  }
0x28: {  	s2 =	sld [smem:$0x3FAA]  }
0x29: {  	s4 =	sld [smem:$0x3FAC]  }
0x2a: {  	p0 =	seq.s32 s5, $0x0;
	s5 =	sld [smem:$0x3FAD]  }
0x2b: {  	s6 =	sld [smem:$0x3FAE]  }
0x2c: {  	s7 =	sld [smem:$0x3FAF]  }
0x2d: {  	s3 =	simm.s32 $0x108;
	s8 =	sld [smem:$0x3FB0]  }
0x2e: {  	s3 =	simm.s32 @!p0 $0x1082;
	s9 =	sld [smem:$0x3FB1]  }
0x2f: {  	lr =	sadd.s32 s0, s3;
	s0 =	sld [smem:$0x3FA8]  }
0x30: {  	s3 =	sld [smem:$0x3FAB]  }
0x31: {  	[smem:$0x3FB4] =	sst s10  }
0x32: {  	s10 =	sld [smem:$0x3FB2];
	_ =	sdelay $0x3  }
0x33: {  	p0 =	seq.s32 s10, $0x1;
	s10 =	sld [smem:$0x3FB4];
	_ =	sdelay $0x3  }
0x34: {  	[smem:$0x3FB4] =	sst s10  }
0x35: {  	s10 =	sld [smem:$0x3FB3];
	_ =	sdelay $0x3  }
0x36: {  	p1 =	seq.s32 s10, $0x1;
	s10 =	sld [smem:$0x3FB4];
	_ =	sdelay $0x3  }
0x37: {  	[smem:$0x3FB4] =	sst s10  }
0x38: {  	s10 =	sld [smem:$0x3FB5]  }
0x39: {  	_ = 	snop;
	(pc) =	sbr.ind lr, $3  }
0x3a: {  	_ = 	snop  }
0x3b: {  	_ = 	snop  }
0x3c: {  	p2 =	seq.s32 s10, $0x1;
	s10 =	sld [smem:$0x3FB4]  }
0x3d: {  	_ =	shalt  }
0x3e: {  	_ =	shalt  }
0x3f: {  	_ =	shalt  }
0x40: {  	_ =	shalt  }
0x41: {  	_ =	shalt  }
0x42: {  	_ =	shalt  }
0x43: {  	_ =	shalt  }
0x44: {  	_ =	shalt  }
0x45: {  	_ =	shalt  }
0x46: {  	_ =	shalt  }
0x47: {  	_ =	shalt  }
0x48: {  	_ =	shalt  }
0x49: {  	_ =	shalt  }
0x4a: {  	_ =	shalt  }
0x4b: {  	_ =	shalt  }
0x4c: {  	_ =	shalt  }
0x4d: {  	_ =	shalt  }
0x4e: {  	_ =	shalt  }
0x4f: {  	_ =	shalt  }
0x50: {  	_ =	shalt  }
0x51: {  	_ =	shalt  }
0x52: {  	_ =	shalt  }
0x53: {  	_ =	shalt  }
0x54: {  	_ =	shalt  }
0x55: {  	_ =	shalt  }
0x56: {  	_ =	shalt  }
0x57: {  	_ =	shalt  }
0x58: {  	_ =	shalt  }
0x59: {  	_ =	shalt  }
0x5a: {  	_ =	shalt  }
0x5b: {  	_ =	shalt  }
0x5c: {  	_ =	shalt  }
0x5d: {  	_ =	shalt  }
0x5e: {  	_ =	shalt  }
0x5f: {  	_ =	shalt  }
0x60: {  	_ =	shalt  }
0x61: {  	_ =	shalt  }
0x62: {  	_ =	shalt  }
0x63: {  	_ =	shalt  }
0x64: {  	_ =	shalt  }
0x65: {  	_ =	shalt  }
0x66: {  	_ =	shalt  }
0x67: {  	_ =	shalt  }
0x68: {  	_ =	shalt  }
0x69: {  	_ =	shalt  }
0x6a: {  	_ =	shalt  }
0x6b: {  	_ =	shalt  }
0x6c: {  	_ =	shalt  }
0x6d: {  	_ =	shalt  }
0x6e: {  	_ =	shalt  }
0x6f: {  	_ =	shalt  }
0x70: {  	_ =	shalt  }
0x71: {  	_ =	shalt  }
0x72: {  	_ =	shalt  }
0x73: {  	_ =	shalt  }
0x74: {  	_ =	shalt  }
0x75: {  	_ =	shalt  }
0x76: {  	_ =	shalt  }
0x77: {  	_ =	shalt  }
0x78: {  	_ =	shalt  }
0x79: {  	_ =	shalt  }
0x7a: {  	_ =	shalt  }
0x7b: {  	_ =	shalt  }
0x7c: {  	_ =	shalt  }
0x7d: {  	_ =	shalt  }
0x7e: {  	_ =	shalt  }
0x7f: {  	_ =	shalt  }
0x80: {  	_ =	shalt  }
0x81: {  	_ =	shalt  }
0x82: {  	_ =	shalt  }
0x83: {  	_ =	shalt  }
0x84: {  	_ =	shalt  }
0x85: {  	_ =	shalt  }
0x86: {  	_ =	shalt  }
0x87: {  	_ =	shalt  }
.Lfunc_end0:
.L_simem_size_0:
called_computation.2_lowered:
.L_overlay_start_0:
0x88: {  	s2 =	sld [smem:$0x3FD9]  }
0x89: {  	s3 =	sld [smem:$0x3FFE];
	_ =	sdelay $0x1  }
0x8a: {  	s1 =	srdreg.scid  }
0x8b: {  	s0 =	sand.u32 $0x1, s1  }
0x8c: {  	s14 =	sshll.u32 s0, $0xA;
	s2 =	sadd.s32 s3, s2  }
0x8d: {  	s2 =	sadd.s32 s2, s14  }
0x8e: {  	[smem:$0x3FC0] =	sst s2  }
0x8f: {  	_ = 	snop  }
0x90: {  	s2 =	sld [smem:$0x3FD0];
	_ =	sdelay $0x2  }
0x91: {  	s15 =	simm.s32 $0xB;
	s4 =	simm.s32 $0x10  }
0x92: {  	[smem:s4], [sflag:s15] =	dma.local [hbm:s2], $0x1  }
0x93: {  	_ =	swait.eq [sflag:s15], $0x1  }
0x94: {  	[sflag:s15] =	ssyncset.done $0x0  }
0x95: {  	[sflag:s15] =	ssyncadd.s32 $0xFFFFFFFF  }
0x96: {  	s16 =	sld [smem:$0x11];
	(tm) =	ssettm $0x1  }
0x97: {  	s17 =	sld [smem:$0x3FFB];
	_ =	sdelay $0x3  }
0x98: {  	_ =	strace s17  }
0x99: {  	s3 =	sld [smem:$0x3FFC];
	_ =	sdelay $0x3  }
0x9a: {  	_ =	strace s3  }
0x9b: {  	s3 =	sld [smem:$0x3FFD];
	_ =	sdelay $0x3  }
0x9c: {  	_ =	strace s3  }
0x9d: {  	_ =	strace $0x8FFFFFFF  }
0x9e: {  	s18 =	sld [smem:$0x3FDB];
	_ =	sdelay $0x1  }
0x9f: {  	s19 =	simm.s32 $_scs_section_size  }
0xa0: {  	s5 =	simm.s32 $_size__tile_overlayer_lowered;
	s6 =	simm.s32 $_tile_overlayer_lowered  }
0xa1: {  	s22 =	simm.s32 $0x1BFF;
	s21 =	sshll.u32 s6, $0x1;
	s3 =	sadd.s32 s19, s18  }
0xa2: {  	s7 =	simm.s32 $0x0;
	s20 =	sshll.u32 s5, $0x1;
	s5 =	sadd.s32 s21, s3  }
0xa3: {  	[timem:s7], [sflag:s22] =	dma.local [hbm:s5], s20  }
0xa4: {  	_ =	swait.ge [sflag:s22], s20  }
0xa5: {  	s4 =	ssub.s32 $0x0, s20;
	[sflag:s22] =	ssyncset.done $0x0  }
0xa6: {  	[sflag:s22] =	ssyncadd.s32 s4;
	_ =	sdelay $0x1  }
0xa7: {  	s23 =	simm.s32 $0x1B8B  }
0xa8: {  	_ =	swait.ge [sflag:s23], $0x1  }
0xa9: {  	[sflag:s23] =	ssyncset.done $0x0  }
0xaa: {  	s25 =	simm.s32 $0x1B8E;
	s24 =	sld [smem:$0x3FFE];
	[sflag:s23] =	ssyncadd.s32 $0xFFFFFFFF  }
0xab: {  	s26 =	simm.s32 $execute0_lowered;
	[smem:$0x3FD2] =	sst s25  }
0xac: {  	s5 =	sshll.u32 s26, $0x1;
	_ =	strace $0x80000046;
	[dreg:$0x1] =	wrdreg $0xFFFFFFFF  }
0xad: {  	s28 =	simm.s32 $_size_execute0_lowered;
	s3 =	sadd.s32 s3, s5;
	[dreg:$0x0] =	wrdreg $0x0  }
0xae: {  	s5 =	sshll.u32 s28, $0x1;
	[dreg:$0x2] =	wrdreg s3  }
0xaf: {  	[dreg:$0x3] =	wrdreg s5  }
0xb0: {  	[dreg:$0x4] =	wrdreg $0xC0  }
0xb1: {  	_ =	task [dreg:s7], $0x5FFFF  }
0xb2: {  	[dreg:$0x1] =	wrdreg $0xFFFFFFFF  }
0xb3: {  	[dreg:$0x0] =	wrdreg $0x60  }
0xb4: {  	[dreg:$0x2] =	wrdreg s24  }
0xb5: {  	[dreg:$0x3] =	wrdreg s16  }
0xb6: {  	[dreg:$0x4] =	wrdreg $0x17F000  }
0xb7: {  	[dreg:$0x5] =	wrdreg $0x1E3000  }
0xb8: {  	[dreg:$0x6] =	wrdreg $0x9  }
0xb9: {  	_ =	task.clear_ibuf [dreg:s7], $0x7FFFF;
	_ =	strace $0x90000046  }
0xba: {  	s29 =	simm.s32 $0x9;
	_ =	strace $0x80000048  }
0xbb: {  	_ =	swait.ge [sflag:s29], $0x1  }
0xbc: {  	[sflag:s29] =	ssyncadd.s32 $0xFFFFFFFF  }
0xbd: {  	_ =	strace $0x90000048  }
0xbe: {  	_ =	sfence  }
0xbf: {  	s30 =	sld [smem:$0x0];
	_ =	sdelay $0x2  }
0xc0: {  	s31 =	sshll.u32 s1, $0xD;
	s1 =	sshrl.u32 s1, $0x2  }
0xc1: {  	s3 =	sand.u32 $0x4000, s31;
	s1 =	sadd.s32 s1, s30  }
0xc2: {  	s0 =	sor.u32 s3, s0;
	s1 =	sshll.u32 s1, $0x11  }
0xc3: {  	s0 =	sor.u32 s1, s0  }
0xc4: {  	s0 =	sadd.s32 $0x8F2B, s0  }
0xc5: {  	[sflag:s0] =	ssyncadd.remote.s32 $0x1  }
0xc6: {  	_ =	sfence.sel $0xFFFF  }
0xc7: {  	[dreg:$0x0] =	wrdreg $0xFFFFFFFF;
	(pc) =	sbr.abs _section_cstart, $3  }
0xc8: {  	[dreg:$0x1] =	wrdreg $0xFFFFFFFF  }
0xc9: {  	_ =	task.clear_ibuf [dreg:s7], $0x2FFFF;
	_ =	strace $0x9FFFFFFF  }
0xca: {  	(tm) =	ssettm $0x7FFFFFFF  }
0xcb: {  	_ =	shalt  }
tec
execute0_lowered:
.L_overlay_start_1:
0x0: {  	(tag) =	ssettag $0x1  }
0x1: {  	s0 =	rddreg [dreg:$0x0]  }
0x2: {  	s1 =	srdreg.scid;
	s2 =	rddreg [dreg:$0x2]  }
0x3: {  	s22 =	stileid.u32;
	s28 =	simm.s32 $0x400;
	s29 =	simm.s32 $0x17280  }
0x4: {  	s1 =	sand.u32 $0x1, s1;
	s3 =	sadd.s32 $0x1600, s0;
	s5 =	smul.u32 $0xC350, s22  }
0x5: {  	s15 =	sadd.s32 $0x19E00, s0;
	s0 =	sadd.s32 $0x186B600, s0;
	s25 =	sshll.u32 s22, $0x7  }
0x6: {  	p1 =	sgt.u32 s22, $0x7;
	p2 =	slt.u32 s22, $0x8;
	s4 =	ssub.s32 $0x2, s1  }
0x7: {  	p0 =	seq.s32 s1, $0x0;
	s1 =	smul.u32 $0xC3500, s1;
	s6 =	sshrl.u32 s4, $0x1  }
0x8: {  	s19 =	sshrl.u32 s5, $0x3;
	s17 =	sadd.s32 $0x2710, s5;
	s18 =	sadd.s32 $0x4E20, s5  }
0x9: {  	s4 =	ssub.s32 s4, s6;
	s7 =	sadd.s32 s0, s19;
	s20 =	sadd.s32 s3, s19  }
0xa: {  	s6 =	sadd.s32 s15, s19;
	s21 =	sshrl.u32 s17, $0x3;
	[dreg:$0x5] =	wrdreg s7  }
0xb: {  	s9 =	sshrl.u32 s18, $0x3;
	s19 =	sadd.s32 $0x7530, s5;
	[dreg:$0x6] =	wrdreg s20  }
0xc: {  	[dreg:$0x7] =	wrdreg s6;
	s23 =	sadd.s32 s0, s21;
	s24 =	sadd.s32 s3, s21  }
0xd: {  	s6 =	sadd.s32 s15, s21;
	s7 =	sadd.s32 s0, s9;
	s8 =	sadd.s32 s3, s9  }
0xe: {  	s9 =	sadd.s32 s15, s9;
	s12 =	sshrl.u32 s19, $0x3;
	[dreg:$0x8] =	wrdreg s23  }
0xf: {  	s20 =	sadd.s32 $0x9C40, s5;
	s21 =	smul.u32 $0x19000, s22;
	[dreg:$0x9] =	wrdreg s24  }
0x10: {  	[dreg:$0xb] =	wrdreg s9;
	s10 =	sadd.s32 s0, s12;
	s11 =	sadd.s32 s3, s12  }
0x11: {  	s12 =	sadd.s32 s15, s12;
	s16 =	sshrl.u32 s20, $0x3;
	s9 =	sadd.s32 s25, s2  }
0x12: {  	s23 =	sadd.s32 s1, s17;
	s24 =	sadd.s32 s1, s18;
	s13 =	sadd.s32 s0, s16  }
0x13: {  	s14 =	sadd.s32 s3, s16;
	s15 =	sadd.s32 s15, s16;
	s26 =	sshrl.u32 s21, $0x2  }
0x14: {  	[dreg:$0xa] =	wrdreg s9;
	s0 =	sand.u32 $0x380, s25;
	s21 =	sadd.s32 s5, s1  }
0x15: {  	s25 =	sadd.s32 s1, s19;
	s19 =	simm.s32 $0x0;
	s1 =	sadd.s32 s1, s20  }
0x16: {  	s3 =	sshrl.u32 s24, $0x3;
	s16 =	sadd.s32 s26, s2;
	[smem:$0x7FF] =	sst s19  }
0x17: {  	s0 =	sadd.s32 s0, s2;
	s2 =	sshrl.u32 s23, $0x3;
	s26 =	rddreg [dreg:$0x1]  }
0x18: {  	s20 =	sshrl.u32 s25, $0x3;
	s23 =	smul.u32 $0x3200, s22;
	s24 =	sshrl.u32 s1, $0x3  }
0x19: {  	s1 =	simm.s32 $0x13E80;
	[dreg:$0xc] =	wrdreg s0;
	s0 =	sshrl.u32 s21, $0x3  }
0x1a: {  	s9 =	sadd.s32 s26, s2;
	s18 =	sadd.s32 s26, s3;
	s21 =	rddreg [dreg:$0x3]  }
0x1b: {  	s30 =	sadd.s32 $0x80, s16;
	s31 =	sadd.s32 $0x100, s16;
	s22 =	sadd.s32 $0x180, s16  }
0x1c: {  	s17 =	sadd.s32 $0x300, s16;
	s2 =	simm.s32 $0x0;
	[dreg:$0xe] =	wrdreg s9  }
0x1d: {  	s0 =	sadd.s32 s26, s0;
	[dreg:$0xf] =	wrdreg s18;
	s25 =	sshrl.u32 s23, $0x2  }
0x1e: {  	s18 =	sadd.s32 $0x380, s16;
	[dreg:$0xd] =	wrdreg s0;
	s0 =	sadd.s32 s26, s20  }
0x1f: {  	s23 =	simm.s32 $0xEF80;
	s20 =	simm.s32 $0xC800;
	[dreg:$0x10] =	wrdreg s0  }
0x20: {  	s0 =	sadd.s32 s26, s24;
	s26 =	smax.u32 s4, $0x1;
	s24 =	sadd.s32 $0x280, s16  }
0x21: {  	[dreg:$0x11] =	wrdreg s0;
	s0 =	sadd.s32 s25, s21;
	s21 =	simm.s32 $0x1  }
0x22: {  	s25 =	simm.s32 $0x11700;
	_ =	strace $0x80000047;
	[dreg:$0x12] =	wrdreg s0  }
0x23: {  	v0 =	vimm.f32 $0.0e+00;
	[dreg:$0x13] =	wrdreg s26;
	s0 =	sadd.s32 $0x200, s16;
	s26 =	simm.s32 $0x80  }
.LBB2_1:
0x24: {  	s3 =	simm.s32 $0x40;
	s4 =	simm.s32 $0x0  }
.LBB2_2:
0x25: {  	p3 =	sne.s32 s3, $0x31FC0;
	[tilespmem:s4+$0x0] =	vst v0;
	s4 =	smov.u32 s3;
	s3 =	sadd.s32 $0x40, s3  }
.Ltmp0:
0x26: {  	(pc) =	sbr.rel @p3 .LBB2_2-.Ltmp0, $2  }
0x27: {  	_ =	sdelay $0x2  }
0x28: {  	s4 =	sshra.s32 s4, $0x2  }
0x29: {  	[tilespmem:s4+$0x0] =	vst v0;
	s3 =	simm.s32 $0x0;
	s9 =	rddreg [dreg:$0x5]  }
0x2a: {  	[tilespmem:s20], [sflag:$0x1] =	stream.linear.gather [hbm4b:s9+s3], $0x2710, $0x38;
	[tilespmem:$0x1EF80] =	vst v63  }
0x2b: {  	_ =	swait.ge [sflag:s21], $0x2710  }
0x2c: {  	[sflag:s21] =	ssyncset.done $0x0  }
0x2d: {  	s5 =	rddreg [dreg:$0x6];
	[sflag:s21] =	ssyncadd.s32 $0xFFFFD8F0  }
0x2e: {  	[tilespmem:s23], [sflag:$0x1] =	stream.linear.gather [hbm4b:s5+s3], $0x2710, $0x38;
	[tilespmem:$0x1EF80] =	vst v63  }
0x2f: {  	_ =	swait.ge [sflag:s21], $0x2710  }
0x30: {  	[sflag:s21] =	ssyncset.done $0x0  }
0x31: {  	s9 =	rddreg [dreg:$0x7];
	[sflag:s21] =	ssyncadd.s32 $0xFFFFD8F0  }
0x32: {  	[tilespmem:s25], [sflag:$0x1] =	stream.linear.gather [hbm4b:s9+s3], $0x2710, $0x38;
	[tilespmem:$0x1EF80] =	vst v63  }
0x33: {  	_ =	swait.ge [sflag:s21], $0x2710  }
0x34: {  	[sflag:s21] =	ssyncset.done $0x0  }
0x35: {  	s4 =	simm.s32 $0x40;
	s5 =	simm.s32 $0x0;
	[sflag:s21] =	ssyncadd.s32 $0xFFFFD8F0  }
.LBB2_4:
0x36: {  	p3 =	sne.s32 s4, $0x9C00;
	v1 =	vld [tilespmem:s5+$0xC800];
	s3 =	simm.s32 $0xEF80  }
0x37: {  	s3 =	simm.s32 @!p0 $0x11700  }
0x38: {  	s5 =	sadd.s32 s3, s5  }
0x39: {  	v2 =	vld [tilespmem:s5+$0x0]  }
.Ltmp1:
0x3a: {  	(pc) =	sbr.rel @p3 .LBB2_4-.Ltmp1, $2  }
0x3b: {  	_ =	sdelay $0x2  }
0x3c: {  	s5 =	sshra.s32 s4, $0x2;
	s4 =	sadd.s32 $0x40, s4;
	[tilespmem:v1+s19+$0x0] =	vst.idx.add.f32.msk $0xffff, v2  }
0x3d: {  	v1 =	vld [tilespmem:s5+$0xC800];
	_ =	sdelay $0x1  }
0x3e: {  	s4 =	sadd.s32 s3, s5  }
0x3f: {  	v2 =	vld [tilespmem:s4+$0x0];
	_ =	sdelay $0x4  }
0x40: {  	s9 =	rddreg [dreg:$0x8];
	s4 =	simm.s32 $0x0;
	[tilespmem:v1+s19+$0x0] =	vst.idx.add.f32.msk $0xffff, v2  }
0x41: {  	[tilespmem:s20], [sflag:$0x1] =	stream.linear.gather [hbm4b:s9+s4], $0x2710, $0x38;
	[tilespmem:$0x1EF80] =	vst v63  }
0x42: {  	_ =	swait.ge [sflag:s21], $0x2710  }
0x43: {  	[sflag:s21] =	ssyncset.done $0x0  }
0x44: {  	s9 =	rddreg [dreg:$0x9];
	[sflag:s21] =	ssyncadd.s32 $0xFFFFD8F0  }
0x45: {  	[tilespmem:s23], [sflag:$0x1] =	stream.linear.gather [hbm4b:s9+s4], $0x2710, $0x38;
	[tilespmem:$0x1EF80] =	vst v63  }
0x46: {  	_ =	swait.ge [sflag:s21], $0x2710  }
0x47: {  	[sflag:s21] =	ssyncset.done $0x0  }
0x48: {  	[sflag:s21] =	ssyncadd.s32 $0xFFFFD8F0  }
0x49: {  	[tilespmem:s25], [sflag:$0x1] =	stream.linear.gather [hbm4b:s6+s4], $0x2710, $0x38;
	[tilespmem:$0x1EF80] =	vst v63  }
0x4a: {  	v1 =	vmov s3;
	_ =	swait.ge [sflag:s21], $0x2710  }
0x4b: {  	[sflag:s21] =	ssyncset.done $0x0  }
0x4c: {  	s3 =	simm.s32 $0x40;
	s4 =	simm.s32 $0x0;
	[sflag:s21] =	ssyncadd.s32 $0xFFFFD8F0  }
.LBB2_6:
0x4d: {  	p3 =	sne.s32 s3, $0x9C00;
	v2 =	vld [tilespmem:s4+$0xC800];
	_ =	sdelay $0x1  }
0x4e: {  	v3 =	vld.idx.msk [tilespmem:v1+s4+$0x0 ss:$0x1], $0xffff;
	_ =	sdelay $0x1  }
.Ltmp2:
0x4f: {  	(pc) =	sbr.rel @p3 .LBB2_6-.Ltmp2, $2  }
0x50: {  	_ =	sdelay $0x2  }
0x51: {  	s4 =	sshra.s32 s3, $0x2;
	s3 =	sadd.s32 $0x40, s3;
	[tilespmem:v2+s19+$0x0] =	vst.idx.add.f32.msk $0xffff, v3  }
0x52: {  	_ = 	snop  }
0x53: {  	v2 =	vld [tilespmem:s4+$0xC800];
	_ =	sdelay $0x2  }
0x54: {  	v3 =	vld.idx.msk [tilespmem:v1+s4+$0x0 ss:$0x1], $0xffff;
	_ =	sdelay $0x4  }
0x55: {  	s3 =	simm.s32 $0x0;
	[tilespmem:v2+s19+$0x0] =	vst.idx.add.f32.msk $0xffff, v3  }
0x56: {  	[tilespmem:s20], [sflag:$0x1] =	stream.linear.gather [hbm4b:s7+s3], $0x2710, $0x38;
	[tilespmem:$0x1EF80] =	vst v63  }
0x57: {  	_ =	swait.ge [sflag:s21], $0x2710  }
0x58: {  	[sflag:s21] =	ssyncset.done $0x0  }
0x59: {  	[sflag:s21] =	ssyncadd.s32 $0xFFFFD8F0  }
0x5a: {  	[tilespmem:s23], [sflag:$0x1] =	stream.linear.gather [hbm4b:s8+s3], $0x2710, $0x38;
	[tilespmem:$0x1EF80] =	vst v63  }
0x5b: {  	_ =	swait.ge [sflag:s21], $0x2710  }
0x5c: {  	[sflag:s21] =	ssyncset.done $0x0  }
0x5d: {  	s9 =	smov.u32 s8;
	s8 =	rddreg [dreg:$0xb];
	[sflag:s21] =	ssyncadd.s32 $0xFFFFD8F0  }
0x5e: {  	[tilespmem:s25], [sflag:$0x1] =	stream.linear.gather [hbm4b:s8+s3], $0x2710, $0x38;
	[tilespmem:$0x1EF80] =	vst v63  }
0x5f: {  	_ =	swait.ge [sflag:s21], $0x2710  }
0x60: {  	[sflag:s21] =	ssyncset.done $0x0  }
0x61: {  	s4 =	simm.s32 $0x0;
	s3 =	simm.s32 $0x40;
	[sflag:s21] =	ssyncadd.s32 $0xFFFFD8F0  }
.LBB2_8:
0x62: {  	p3 =	sne.s32 s3, $0x9C00;
	v2 =	vld [tilespmem:s4+$0xC800];
	_ =	sdelay $0x1  }
0x63: {  	v3 =	vld.idx.msk [tilespmem:v1+s4+$0x0 ss:$0x1], $0xffff;
	_ =	sdelay $0x1  }
.Ltmp3:
0x64: {  	(pc) =	sbr.rel @p3 .LBB2_8-.Ltmp3, $2  }
0x65: {  	_ =	sdelay $0x2  }
0x66: {  	s4 =	sshra.s32 s3, $0x2;
	s3 =	sadd.s32 $0x40, s3;
	[tilespmem:v2+s19+$0x0] =	vst.idx.add.f32.msk $0xffff, v3  }
0x67: {  	_ = 	snop  }
0x68: {  	v2 =	vld [tilespmem:s4+$0xC800];
	_ =	sdelay $0x2  }
0x69: {  	v3 =	vld.idx.msk [tilespmem:v1+s4+$0x0 ss:$0x1], $0xffff;
	_ =	sdelay $0x4  }
0x6a: {  	s3 =	simm.s32 $0x0;
	[tilespmem:v2+s19+$0x0] =	vst.idx.add.f32.msk $0xffff, v3  }
0x6b: {  	[tilespmem:s20], [sflag:$0x1] =	stream.linear.gather [hbm4b:s10+s3], $0x2710, $0x38;
	[tilespmem:$0x1EF80] =	vst v63  }
0x6c: {  	_ =	swait.ge [sflag:s21], $0x2710  }
0x6d: {  	[sflag:s21] =	ssyncset.done $0x0  }
0x6e: {  	[sflag:s21] =	ssyncadd.s32 $0xFFFFD8F0  }
0x6f: {  	[tilespmem:s23], [sflag:$0x1] =	stream.linear.gather [hbm4b:s11+s3], $0x2710, $0x38;
	[tilespmem:$0x1EF80] =	vst v63  }
0x70: {  	_ =	swait.ge [sflag:s21], $0x2710  }
0x71: {  	[sflag:s21] =	ssyncset.done $0x0  }
0x72: {  	[sflag:s21] =	ssyncadd.s32 $0xFFFFD8F0  }
0x73: {  	[tilespmem:s25], [sflag:$0x1] =	stream.linear.gather [hbm4b:s12+s3], $0x2710, $0x38;
	[tilespmem:$0x1EF80] =	vst v63  }
0x74: {  	_ =	swait.ge [sflag:s21], $0x2710  }
0x75: {  	s8 =	smov.u32 s7;
	[sflag:s21] =	ssyncset.done $0x0  }
0x76: {  	s4 =	simm.s32 $0x0;
	s3 =	simm.s32 $0x40;
	[sflag:s21] =	ssyncadd.s32 $0xFFFFD8F0  }
.LBB2_10:
0x77: {  	p3 =	sne.s32 s3, $0x9C00;
	v2 =	vld [tilespmem:s4+$0xC800];
	_ =	sdelay $0x1  }
0x78: {  	v3 =	vld.idx.msk [tilespmem:v1+s4+$0x0 ss:$0x1], $0xffff;
	_ =	sdelay $0x1  }
.Ltmp4:
0x79: {  	(pc) =	sbr.rel @p3 .LBB2_10-.Ltmp4, $2  }
0x7a: {  	_ =	sdelay $0x2  }
0x7b: {  	s4 =	sshra.s32 s3, $0x2;
	s3 =	sadd.s32 $0x40, s3;
	[tilespmem:v2+s19+$0x0] =	vst.idx.add.f32.msk $0xffff, v3  }
0x7c: {  	_ = 	snop  }
0x7d: {  	v2 =	vld [tilespmem:s4+$0xC800];
	_ =	sdelay $0x2  }
0x7e: {  	v3 =	vld.idx.msk [tilespmem:v1+s4+$0x0 ss:$0x1], $0xffff;
	_ =	sdelay $0x4  }
0x7f: {  	s3 =	simm.s32 $0x0;
	[tilespmem:v2+s19+$0x0] =	vst.idx.add.f32.msk $0xffff, v3  }
0x80: {  	[tilespmem:s20], [sflag:$0x1] =	stream.linear.gather [hbm4b:s13+s3], $0x2710, $0x38;
	[tilespmem:$0x1EF80] =	vst v63  }
0x81: {  	_ =	swait.ge [sflag:s21], $0x2710  }
0x82: {  	[sflag:s21] =	ssyncset.done $0x0  }
0x83: {  	[sflag:s21] =	ssyncadd.s32 $0xFFFFD8F0  }
0x84: {  	[tilespmem:s23], [sflag:$0x1] =	stream.linear.gather [hbm4b:s14+s3], $0x2710, $0x38;
	[tilespmem:$0x1EF80] =	vst v63  }
0x85: {  	_ =	swait.ge [sflag:s21], $0x2710  }
0x86: {  	[sflag:s21] =	ssyncset.done $0x0  }
0x87: {  	[sflag:s21] =	ssyncadd.s32 $0xFFFFD8F0  }
0x88: {  	[tilespmem:s25], [sflag:$0x1] =	stream.linear.gather [hbm4b:s15+s3], $0x2710, $0x38;
	[tilespmem:$0x1EF80] =	vst v63  }
0x89: {  	_ =	swait.ge [sflag:s21], $0x2710  }
0x8a: {  	s7 =	smov.u32 s6;
	[sflag:s21] =	ssyncset.done $0x0  }
0x8b: {  	s4 =	simm.s32 $0x0;
	s3 =	simm.s32 $0x40;
	[sflag:s21] =	ssyncadd.s32 $0xFFFFD8F0  }
.LBB2_12:
0x8c: {  	p3 =	sne.s32 s3, $0x9C00;
	v2 =	vld [tilespmem:s4+$0xC800];
	_ =	sdelay $0x1  }
0x8d: {  	v3 =	vld.idx.msk [tilespmem:v1+s4+$0x0 ss:$0x1], $0xffff;
	_ =	sdelay $0x1  }
.Ltmp5:
0x8e: {  	(pc) =	sbr.rel @p3 .LBB2_12-.Ltmp5, $2  }
0x8f: {  	_ =	sdelay $0x2  }
0x90: {  	s4 =	sshra.s32 s3, $0x2;
	s3 =	sadd.s32 $0x40, s3;
	[tilespmem:v2+s19+$0x0] =	vst.idx.add.f32.msk $0xffff, v3  }
0x91: {  	_ = 	snop  }
0x92: {  	v2 =	vld [tilespmem:s4+$0xC800];
	_ =	sdelay $0x2  }
0x93: {  	v3 =	vld.idx.msk [tilespmem:v1+s4+$0x0 ss:$0x1], $0xffff;
	_ =	sdelay $0x3  }
0x94: {  	s3 =	simm.s32 @!p1 $0x80  }
0x95: {  	s4 =	simm.s32 @!p1 $0x400;
	s5 =	simm.s32 @!p1 $0x0;
	s6 =	rddreg [dreg:$0xa];
	[tilespmem:v2+s19+$0x0] =	vst.idx.add.f32.msk $0xffff, v3  }
0x96: {  	[spmem:s6] =	stream.strided.scatter @!p1 [tilespmem:s5], [sflag:$0x1], $0xC800, s4, s3, $0x38;
	[tilespmem:$0x1EF80] =	vst v63  }
0x97: {  	s3 =	simm.s32 @!p1 $0x1  }
0x98: {  	_ =	swait.ge @!p1 [sflag:s3], $0xC800  }
0x99: {  	[sflag:s3] =	ssyncset.done @!p1 $0x0  }
0x9a: {  	[sflag:s3] =	ssyncadd.s32 @!p1 $0xFFFF3800  }
0x9b: {  	s6 =	simm.s32 $0x16600;
	[bflag:$0x0] =	sbarrier.arrive $0xFFFF  }
0x9c: {  	[tilespmem:s6], [sflag:$0x1] =	stream.strided.gather [spmem:s16], $0xC80, s28, s26, $0x38;
	[tilespmem:$0x1EF80] =	vst v63  }
0x9d: {  	_ =	swait.ge [sflag:s21], $0xC80  }
0x9e: {  	[sflag:s21] =	ssyncset.done $0x0  }
0x9f: {  	[sflag:s21] =	ssyncadd.s32 $0xFFFFF380  }
0xa0: {  	[tilespmem:s29], [sflag:$0x1] =	stream.strided.gather [spmem:s30], $0xC80, s28, s26, $0x38;
	[tilespmem:$0x1EF80] =	vst v63  }
0xa1: {  	_ =	swait.ge [sflag:s21], $0xC80  }
0xa2: {  	[sflag:s21] =	ssyncset.done $0x0  }
0xa3: {  	s3 =	simm.s32 $0x0;
	[sflag:s21] =	ssyncadd.s32 $0xFFFFF380  }
0xa4: {  	s4 =	simm.s32 $0x40;
	v2 =	vld [tilespmem:s3+$0x17280]  }
.LBB2_14:
0xa5: {  	p3 =	sne.s32 s4, $0x31C0;
	v3 =	vld [tilespmem:s3+$0x16600];
	_ =	sdelay $0x2  }
.Ltmp6:
0xa6: {  	(pc) =	sbr.rel @p3 .LBB2_14-.Ltmp6, $4  }
0xa7: {  	_ = 	snop  }
0xa8: {  	v3 =	vadd.f32 v2, v3  }
0xa9: {  	s5 =	sshra.s32 s4, $0x2  }
0xaa: {  	s4 =	sadd.s32 $0x40, s4;
	v2 =	vld [tilespmem:s5+$0x17280];
	[tilespmem:s3+$0x16600] =	vst v3;
	s3 =	smov.u32 s5  }
0xab: {  	v3 =	vld [tilespmem:s3+$0x16600];
	_ =	sdelay $0x4  }
0xac: {  	v2 =	vadd.f32 v2, v3;
	_ =	sdelay $0x1  }
0xad: {  	[tilespmem:s3+$0x16600] =	vst v2  }
0xae: {  	[tilespmem:s29], [sflag:$0x1] =	stream.strided.gather [spmem:s31], $0xC80, s28, s26, $0x38;
	[tilespmem:$0x1EF80] =	vst v63  }
0xaf: {  	_ =	swait.ge [sflag:s21], $0xC80  }
0xb0: {  	[sflag:s21] =	ssyncset.done $0x0  }
0xb1: {  	s3 =	simm.s32 $0x0;
	[sflag:s21] =	ssyncadd.s32 $0xFFFFF380  }
0xb2: {  	s4 =	simm.s32 $0x40;
	v2 =	vld [tilespmem:s3+$0x17280]  }
.LBB2_16:
0xb3: {  	p3 =	sne.s32 s4, $0x31C0;
	v3 =	vld [tilespmem:s3+$0x16600];
	_ =	sdelay $0x2  }
.Ltmp7:
0xb4: {  	(pc) =	sbr.rel @p3 .LBB2_16-.Ltmp7, $4  }
0xb5: {  	_ = 	snop  }
0xb6: {  	v3 =	vadd.f32 v2, v3  }
0xb7: {  	s5 =	sshra.s32 s4, $0x2  }
0xb8: {  	s4 =	sadd.s32 $0x40, s4;
	v2 =	vld [tilespmem:s5+$0x17280];
	[tilespmem:s3+$0x16600] =	vst v3;
	s3 =	smov.u32 s5  }
0xb9: {  	v3 =	vld [tilespmem:s3+$0x16600];
	_ =	sdelay $0x4  }
0xba: {  	v2 =	vadd.f32 v2, v3;
	_ =	sdelay $0x1  }
0xbb: {  	[tilespmem:s3+$0x16600] =	vst v2  }
0xbc: {  	[tilespmem:s29], [sflag:$0x1] =	stream.strided.gather [spmem:s22], $0xC80, s28, s26, $0x38;
	[tilespmem:$0x1EF80] =	vst v63  }
0xbd: {  	_ =	swait.ge [sflag:s21], $0xC80  }
0xbe: {  	[sflag:s21] =	ssyncset.done $0x0  }
0xbf: {  	s3 =	simm.s32 $0x0;
	[sflag:s21] =	ssyncadd.s32 $0xFFFFF380  }
0xc0: {  	s4 =	simm.s32 $0x40;
	s6 =	smov.u32 s7;
	v2 =	vld [tilespmem:s3+$0x17280]  }
.LBB2_18:
0xc1: {  	p3 =	sne.s32 s4, $0x31C0;
	v3 =	vld [tilespmem:s3+$0x16600];
	_ =	sdelay $0x2  }
.Ltmp8:
0xc2: {  	(pc) =	sbr.rel @p3 .LBB2_18-.Ltmp8, $4  }
0xc3: {  	_ = 	snop  }
0xc4: {  	v3 =	vadd.f32 v2, v3  }
0xc5: {  	s5 =	sshra.s32 s4, $0x2  }
0xc6: {  	s4 =	sadd.s32 $0x40, s4;
	v2 =	vld [tilespmem:s5+$0x17280];
	[tilespmem:s3+$0x16600] =	vst v3;
	s3 =	smov.u32 s5  }
0xc7: {  	v3 =	vld [tilespmem:s3+$0x16600];
	_ =	sdelay $0x4  }
0xc8: {  	v2 =	vadd.f32 v2, v3;
	_ =	sdelay $0x1  }
0xc9: {  	[tilespmem:s3+$0x16600] =	vst v2  }
0xca: {  	[tilespmem:s29], [sflag:$0x1] =	stream.strided.gather [spmem:s0], $0xC80, s28, s26, $0x38;
	[tilespmem:$0x1EF80] =	vst v63  }
0xcb: {  	_ =	swait.ge [sflag:s21], $0xC80  }
0xcc: {  	[sflag:s21] =	ssyncset.done $0x0  }
0xcd: {  	s3 =	simm.s32 $0x0;
	[sflag:s21] =	ssyncadd.s32 $0xFFFFF380  }
0xce: {  	s4 =	simm.s32 $0x40;
	s7 =	smov.u32 s8;
	v2 =	vld [tilespmem:s3+$0x17280]  }
.LBB2_20:
0xcf: {  	p3 =	sne.s32 s4, $0x31C0;
	v3 =	vld [tilespmem:s3+$0x16600];
	_ =	sdelay $0x2  }
.Ltmp9:
0xd0: {  	(pc) =	sbr.rel @p3 .LBB2_20-.Ltmp9, $4  }
0xd1: {  	_ = 	snop  }
0xd2: {  	v3 =	vadd.f32 v2, v3  }
0xd3: {  	s5 =	sshra.s32 s4, $0x2  }
0xd4: {  	s4 =	sadd.s32 $0x40, s4;
	v2 =	vld [tilespmem:s5+$0x17280];
	[tilespmem:s3+$0x16600] =	vst v3;
	s3 =	smov.u32 s5  }
0xd5: {  	v3 =	vld [tilespmem:s3+$0x16600];
	_ =	sdelay $0x4  }
0xd6: {  	v2 =	vadd.f32 v2, v3;
	_ =	sdelay $0x1  }
0xd7: {  	[tilespmem:s3+$0x16600] =	vst v2  }
0xd8: {  	[tilespmem:s29], [sflag:$0x1] =	stream.strided.gather [spmem:s24], $0xC80, s28, s26, $0x38;
	[tilespmem:$0x1EF80] =	vst v63  }
0xd9: {  	_ =	swait.ge [sflag:s21], $0xC80  }
0xda: {  	[sflag:s21] =	ssyncset.done $0x0  }
0xdb: {  	s3 =	simm.s32 $0x0;
	[sflag:s21] =	ssyncadd.s32 $0xFFFFF380  }
0xdc: {  	s4 =	simm.s32 $0x40;
	s8 =	smov.u32 s9;
	v2 =	vld [tilespmem:s3+$0x17280]  }
.LBB2_22:
0xdd: {  	p3 =	sne.s32 s4, $0x31C0;
	v3 =	vld [tilespmem:s3+$0x16600];
	_ =	sdelay $0x2  }
.Ltmp10:
0xde: {  	(pc) =	sbr.rel @p3 .LBB2_22-.Ltmp10, $4  }
0xdf: {  	_ = 	snop  }
0xe0: {  	v3 =	vadd.f32 v2, v3  }
0xe1: {  	s5 =	sshra.s32 s4, $0x2  }
0xe2: {  	s4 =	sadd.s32 $0x40, s4;
	v2 =	vld [tilespmem:s5+$0x17280];
	[tilespmem:s3+$0x16600] =	vst v3;
	s3 =	smov.u32 s5  }
0xe3: {  	v3 =	vld [tilespmem:s3+$0x16600];
	_ =	sdelay $0x4  }
0xe4: {  	v2 =	vadd.f32 v2, v3;
	_ =	sdelay $0x1  }
0xe5: {  	[tilespmem:s3+$0x16600] =	vst v2  }
0xe6: {  	[tilespmem:s29], [sflag:$0x1] =	stream.strided.gather [spmem:s17], $0xC80, s28, s26, $0x38;
	[tilespmem:$0x1EF80] =	vst v63  }
0xe7: {  	_ =	swait.ge [sflag:s21], $0xC80  }
0xe8: {  	[sflag:s21] =	ssyncset.done $0x0  }
0xe9: {  	s3 =	simm.s32 $0x0;
	[sflag:s21] =	ssyncadd.s32 $0xFFFFF380  }
0xea: {  	s4 =	simm.s32 $0x40;
	v2 =	vld [tilespmem:s3+$0x17280]  }
.LBB2_24:
0xeb: {  	p3 =	sne.s32 s4, $0x31C0;
	v3 =	vld [tilespmem:s3+$0x16600];
	_ =	sdelay $0x2  }
.Ltmp11:
0xec: {  	(pc) =	sbr.rel @p3 .LBB2_24-.Ltmp11, $4  }
0xed: {  	_ = 	snop  }
0xee: {  	v3 =	vadd.f32 v2, v3  }
0xef: {  	s5 =	sshra.s32 s4, $0x2  }
0xf0: {  	s4 =	sadd.s32 $0x40, s4;
	v2 =	vld [tilespmem:s5+$0x17280];
	[tilespmem:s3+$0x16600] =	vst v3;
	s3 =	smov.u32 s5  }
0xf1: {  	v3 =	vld [tilespmem:s3+$0x16600];
	_ =	sdelay $0x4  }
0xf2: {  	v2 =	vadd.f32 v2, v3;
	_ =	sdelay $0x1  }
0xf3: {  	[tilespmem:s3+$0x16600] =	vst v2  }
0xf4: {  	[tilespmem:s29], [sflag:$0x1] =	stream.strided.gather [spmem:s18], $0xC80, s28, s26, $0x38;
	[tilespmem:$0x1EF80] =	vst v63  }
0xf5: {  	_ =	swait.ge [sflag:s21], $0xC80  }
0xf6: {  	[sflag:s21] =	ssyncset.done $0x0  }
0xf7: {  	s3 =	simm.s32 $0x0;
	[sflag:s21] =	ssyncadd.s32 $0xFFFFF380  }
0xf8: {  	s4 =	simm.s32 $0x40;
	v2 =	vld [tilespmem:s3+$0x17280]  }
.LBB2_26:
0xf9: {  	p3 =	sne.s32 s4, $0x31C0;
	v3 =	vld [tilespmem:s3+$0x16600];
	_ =	sdelay $0x2  }
.Ltmp12:
0xfa: {  	(pc) =	sbr.rel @p3 .LBB2_26-.Ltmp12, $4  }
0xfb: {  	_ = 	snop  }
0xfc: {  	v3 =	vadd.f32 v2, v3  }
0xfd: {  	s5 =	sshra.s32 s4, $0x2  }
0xfe: {  	s4 =	sadd.s32 $0x40, s4;
	v2 =	vld [tilespmem:s5+$0x17280];
	[tilespmem:s3+$0x16600] =	vst v3;
	s3 =	smov.u32 s5  }
0xff: {  	v3 =	vld [tilespmem:s3+$0x16600];
	_ =	sdelay $0x4  }
0x100: {  	v2 =	vadd.f32 v2, v3;
	_ =	sdelay $0x1  }
0x101: {  	[tilespmem:s3+$0x16600] =	vst v2  }
0x102: {  	s4 =	simm.s32 @!p2 $0x400;
	[bflag:$0x0] =	sbarrier.arrive $0xFFFF  }
0x103: {  	s5 =	simm.s32 @!p2 $0x0;
	s3 =	simm.s32 @!p2 $0x80;
	s9 =	rddreg [dreg:$0xc]  }
0x104: {  	[spmem:s9] =	stream.strided.scatter @!p2 [tilespmem:s5], [sflag:$0x1], $0xC800, s4, s3, $0x38;
	[tilespmem:$0x1EF80] =	vst v63  }
0x105: {  	s3 =	simm.s32 @!p2 $0x1  }
0x106: {  	_ =	swait.ge @!p2 [sflag:s3], $0xC800  }
0x107: {  	[sflag:s3] =	ssyncset.done @!p2 $0x0  }
0x108: {  	[sflag:s3] =	ssyncadd.s32 @!p2 $0xFFFF3800  }
0x109: {  	[bflag:$0x0] =	sbarrier.arrive $0xFFFF  }
0x10a: {  	[tilespmem:s29], [sflag:$0x1] =	stream.strided.gather [spmem:s16], $0xC80, s28, s26, $0x38;
	[tilespmem:$0x1EF80] =	vst v63  }
0x10b: {  	_ =	swait.ge [sflag:s21], $0xC80  }
0x10c: {  	[sflag:s21] =	ssyncset.done $0x0  }
0x10d: {  	s3 =	simm.s32 $0x0;
	[sflag:s21] =	ssyncadd.s32 $0xFFFFF380  }
0x10e: {  	s4 =	simm.s32 $0x40;
	v2 =	vld [tilespmem:s3+$0x17280]  }
.LBB2_28:
0x10f: {  	p3 =	sne.s32 s4, $0x31C0;
	v3 =	vld [tilespmem:s3+$0x16600];
	_ =	sdelay $0x2  }
.Ltmp13:
0x110: {  	(pc) =	sbr.rel @p3 .LBB2_28-.Ltmp13, $4  }
0x111: {  	_ = 	snop  }
0x112: {  	v3 =	vadd.f32 v2, v3  }
0x113: {  	s5 =	sshra.s32 s4, $0x2  }
0x114: {  	s4 =	sadd.s32 $0x40, s4;
	v2 =	vld [tilespmem:s5+$0x17280];
	[tilespmem:s3+$0x16600] =	vst v3;
	s3 =	smov.u32 s5  }
0x115: {  	v3 =	vld [tilespmem:s3+$0x16600];
	_ =	sdelay $0x4  }
0x116: {  	v2 =	vadd.f32 v2, v3;
	_ =	sdelay $0x1  }
0x117: {  	[tilespmem:s3+$0x16600] =	vst v2  }
0x118: {  	[tilespmem:s29], [sflag:$0x1] =	stream.strided.gather [spmem:s30], $0xC80, s28, s26, $0x38;
	[tilespmem:$0x1EF80] =	vst v63  }
0x119: {  	_ =	swait.ge [sflag:s21], $0xC80  }
0x11a: {  	[sflag:s21] =	ssyncset.done $0x0  }
0x11b: {  	s3 =	simm.s32 $0x0;
	[sflag:s21] =	ssyncadd.s32 $0xFFFFF380  }
0x11c: {  	s4 =	simm.s32 $0x40;
	v2 =	vld [tilespmem:s3+$0x17280]  }
.LBB2_30:
0x11d: {  	p3 =	sne.s32 s4, $0x31C0;
	v3 =	vld [tilespmem:s3+$0x16600];
	_ =	sdelay $0x2  }
.Ltmp14:
0x11e: {  	(pc) =	sbr.rel @p3 .LBB2_30-.Ltmp14, $4  }
0x11f: {  	_ = 	snop  }
0x120: {  	v3 =	vadd.f32 v2, v3  }
0x121: {  	s5 =	sshra.s32 s4, $0x2  }
0x122: {  	s4 =	sadd.s32 $0x40, s4;
	v2 =	vld [tilespmem:s5+$0x17280];
	[tilespmem:s3+$0x16600] =	vst v3;
	s3 =	smov.u32 s5  }
0x123: {  	v3 =	vld [tilespmem:s3+$0x16600];
	_ =	sdelay $0x4  }
0x124: {  	v2 =	vadd.f32 v2, v3;
	_ =	sdelay $0x1  }
0x125: {  	[tilespmem:s3+$0x16600] =	vst v2  }
0x126: {  	[tilespmem:s29], [sflag:$0x1] =	stream.strided.gather [spmem:s31], $0xC80, s28, s26, $0x38;
	[tilespmem:$0x1EF80] =	vst v63  }
0x127: {  	_ =	swait.ge [sflag:s21], $0xC80  }
0x128: {  	[sflag:s21] =	ssyncset.done $0x0  }
0x129: {  	s3 =	simm.s32 $0x0;
	[sflag:s21] =	ssyncadd.s32 $0xFFFFF380  }
0x12a: {  	s4 =	simm.s32 $0x40;
	v2 =	vld [tilespmem:s3+$0x17280]  }
.LBB2_32:
0x12b: {  	p3 =	sne.s32 s4, $0x31C0;
	v3 =	vld [tilespmem:s3+$0x16600];
	_ =	sdelay $0x2  }
.Ltmp15:
0x12c: {  	(pc) =	sbr.rel @p3 .LBB2_32-.Ltmp15, $4  }
0x12d: {  	_ = 	snop  }
0x12e: {  	v3 =	vadd.f32 v2, v3  }
0x12f: {  	s5 =	sshra.s32 s4, $0x2  }
0x130: {  	s4 =	sadd.s32 $0x40, s4;
	v2 =	vld [tilespmem:s5+$0x17280];
	[tilespmem:s3+$0x16600] =	vst v3;
	s3 =	smov.u32 s5  }
0x131: {  	v3 =	vld [tilespmem:s3+$0x16600];
	_ =	sdelay $0x4  }
0x132: {  	v2 =	vadd.f32 v2, v3;
	_ =	sdelay $0x1  }
0x133: {  	[tilespmem:s3+$0x16600] =	vst v2  }
0x134: {  	[tilespmem:s29], [sflag:$0x1] =	stream.strided.gather [spmem:s22], $0xC80, s28, s26, $0x38;
	[tilespmem:$0x1EF80] =	vst v63  }
0x135: {  	_ =	swait.ge [sflag:s21], $0xC80  }
0x136: {  	[sflag:s21] =	ssyncset.done $0x0  }
0x137: {  	s3 =	simm.s32 $0x0;
	[sflag:s21] =	ssyncadd.s32 $0xFFFFF380  }
0x138: {  	s4 =	simm.s32 $0x40;
	v2 =	vld [tilespmem:s3+$0x17280]  }
.LBB2_34:
0x139: {  	p3 =	sne.s32 s4, $0x31C0;
	v3 =	vld [tilespmem:s3+$0x16600];
	_ =	sdelay $0x2  }
.Ltmp16:
0x13a: {  	(pc) =	sbr.rel @p3 .LBB2_34-.Ltmp16, $4  }
0x13b: {  	_ = 	snop  }
0x13c: {  	v3 =	vadd.f32 v2, v3  }
0x13d: {  	s5 =	sshra.s32 s4, $0x2  }
0x13e: {  	s4 =	sadd.s32 $0x40, s4;
	v2 =	vld [tilespmem:s5+$0x17280];
	[tilespmem:s3+$0x16600] =	vst v3;
	s3 =	smov.u32 s5  }
0x13f: {  	v3 =	vld [tilespmem:s3+$0x16600];
	_ =	sdelay $0x4  }
0x140: {  	v2 =	vadd.f32 v2, v3;
	_ =	sdelay $0x1  }
0x141: {  	[tilespmem:s3+$0x16600] =	vst v2  }
0x142: {  	[tilespmem:s29], [sflag:$0x1] =	stream.strided.gather [spmem:s0], $0xC80, s28, s26, $0x38;
	[tilespmem:$0x1EF80] =	vst v63  }
0x143: {  	_ =	swait.ge [sflag:s21], $0xC80  }
0x144: {  	[sflag:s21] =	ssyncset.done $0x0  }
0x145: {  	s3 =	simm.s32 $0x0;
	[sflag:s21] =	ssyncadd.s32 $0xFFFFF380  }
0x146: {  	s4 =	simm.s32 $0x40;
	v2 =	vld [tilespmem:s3+$0x17280]  }
.LBB2_36:
0x147: {  	p3 =	sne.s32 s4, $0x31C0;
	v3 =	vld [tilespmem:s3+$0x16600];
	_ =	sdelay $0x2  }
.Ltmp17:
0x148: {  	(pc) =	sbr.rel @p3 .LBB2_36-.Ltmp17, $4  }
0x149: {  	_ = 	snop  }
0x14a: {  	v3 =	vadd.f32 v2, v3  }
0x14b: {  	s5 =	sshra.s32 s4, $0x2  }
0x14c: {  	s4 =	sadd.s32 $0x40, s4;
	v2 =	vld [tilespmem:s5+$0x17280];
	[tilespmem:s3+$0x16600] =	vst v3;
	s3 =	smov.u32 s5  }
0x14d: {  	v3 =	vld [tilespmem:s3+$0x16600];
	_ =	sdelay $0x4  }
0x14e: {  	v2 =	vadd.f32 v2, v3;
	_ =	sdelay $0x1  }
0x14f: {  	[tilespmem:s3+$0x16600] =	vst v2  }
0x150: {  	[tilespmem:s29], [sflag:$0x1] =	stream.strided.gather [spmem:s24], $0xC80, s28, s26, $0x38;
	[tilespmem:$0x1EF80] =	vst v63  }
0x151: {  	_ =	swait.ge [sflag:s21], $0xC80  }
0x152: {  	[sflag:s21] =	ssyncset.done $0x0  }
0x153: {  	s3 =	simm.s32 $0x0;
	[sflag:s21] =	ssyncadd.s32 $0xFFFFF380  }
0x154: {  	s4 =	simm.s32 $0x40;
	v2 =	vld [tilespmem:s3+$0x17280]  }
.LBB2_38:
0x155: {  	p3 =	sne.s32 s4, $0x31C0;
	v3 =	vld [tilespmem:s3+$0x16600];
	_ =	sdelay $0x2  }
.Ltmp18:
0x156: {  	(pc) =	sbr.rel @p3 .LBB2_38-.Ltmp18, $4  }
0x157: {  	_ = 	snop  }
0x158: {  	v3 =	vadd.f32 v2, v3  }
0x159: {  	s5 =	sshra.s32 s4, $0x2  }
0x15a: {  	s4 =	sadd.s32 $0x40, s4;
	v2 =	vld [tilespmem:s5+$0x17280];
	[tilespmem:s3+$0x16600] =	vst v3;
	s3 =	smov.u32 s5  }
0x15b: {  	v3 =	vld [tilespmem:s3+$0x16600];
	_ =	sdelay $0x4  }
0x15c: {  	v2 =	vadd.f32 v2, v3;
	_ =	sdelay $0x1  }
0x15d: {  	[tilespmem:s3+$0x16600] =	vst v2  }
0x15e: {  	[tilespmem:s29], [sflag:$0x1] =	stream.strided.gather [spmem:s17], $0xC80, s28, s26, $0x38;
	[tilespmem:$0x1EF80] =	vst v63  }
0x15f: {  	_ =	swait.ge [sflag:s21], $0xC80  }
0x160: {  	[sflag:s21] =	ssyncset.done $0x0  }
0x161: {  	s3 =	simm.s32 $0x0;
	[sflag:s21] =	ssyncadd.s32 $0xFFFFF380  }
0x162: {  	s4 =	simm.s32 $0x40;
	v2 =	vld [tilespmem:s3+$0x17280]  }
.LBB2_40:
0x163: {  	p3 =	sne.s32 s4, $0x31C0;
	v3 =	vld [tilespmem:s3+$0x16600];
	_ =	sdelay $0x2  }
.Ltmp19:
0x164: {  	(pc) =	sbr.rel @p3 .LBB2_40-.Ltmp19, $4  }
0x165: {  	_ = 	snop  }
0x166: {  	v3 =	vadd.f32 v2, v3  }
0x167: {  	s5 =	sshra.s32 s4, $0x2  }
0x168: {  	s4 =	sadd.s32 $0x40, s4;
	v2 =	vld [tilespmem:s5+$0x17280];
	[tilespmem:s3+$0x16600] =	vst v3;
	s3 =	smov.u32 s5  }
0x169: {  	v3 =	vld [tilespmem:s3+$0x16600];
	_ =	sdelay $0x4  }
0x16a: {  	v2 =	vadd.f32 v2, v3;
	_ =	sdelay $0x1  }
0x16b: {  	[tilespmem:s3+$0x16600] =	vst v2  }
0x16c: {  	[tilespmem:s29], [sflag:$0x1] =	stream.strided.gather [spmem:s18], $0xC80, s28, s26, $0x38;
	[tilespmem:$0x1EF80] =	vst v63  }
0x16d: {  	_ =	swait.ge [sflag:s21], $0xC80  }
0x16e: {  	[sflag:s21] =	ssyncset.done $0x0  }
0x16f: {  	s3 =	simm.s32 $0x0;
	[sflag:s21] =	ssyncadd.s32 $0xFFFFF380  }
0x170: {  	s4 =	simm.s32 $0x40;
	v2 =	vld [tilespmem:s3+$0x17280]  }
.LBB2_42:
0x171: {  	p3 =	sne.s32 s4, $0x31C0;
	v3 =	vld [tilespmem:s3+$0x16600];
	_ =	sdelay $0x2  }
.Ltmp20:
0x172: {  	(pc) =	sbr.rel @p3 .LBB2_42-.Ltmp20, $4  }
0x173: {  	_ = 	snop  }
0x174: {  	v3 =	vadd.f32 v2, v3  }
0x175: {  	s5 =	sshra.s32 s4, $0x2  }
0x176: {  	s4 =	sadd.s32 $0x40, s4;
	v2 =	vld [tilespmem:s5+$0x17280];
	[tilespmem:s3+$0x16600] =	vst v3;
	s3 =	smov.u32 s5  }
0x177: {  	v3 =	vld [tilespmem:s3+$0x16600];
	_ =	sdelay $0x4  }
0x178: {  	v2 =	vadd.f32 v2, v3;
	_ =	sdelay $0x1  }
0x179: {  	s9 =	rddreg [dreg:$0x12];
	s4 =	simm.s32 $0x16600;
	[tilespmem:s3+$0x16600] =	vst v2  }
0x17a: {  	[spmem:s9] =	stream.linear.scatter [tilespmem:s4], [sflag:$0x1], $0xC80, $0x38;
	[tilespmem:$0x1EF80] =	vst v63  }
0x17b: {  	_ =	swait.ge [sflag:s21], $0xC80  }
0x17c: {  	[sflag:s21] =	ssyncset.done $0x0  }
0x17d: {  	[sflag:s21] =	ssyncadd.s32 $0xFFFFF380  }
0x17e: {  	[bflag:$0x0] =	sbarrier.arrive $0xFFFF  }
0x17f: {  	s3 =	simm.s32 $0x0;
	s5 =	rddreg [dreg:$0x3]  }
0x180: {  	[tilespmem:s3], [sflag:$0x1] =	stream.linear.gather [spmem:s5], $0xC800, $0x38;
	[tilespmem:$0x1EF80] =	vst v63  }
0x181: {  	_ =	swait.ge [sflag:s21], $0xC800  }
0x182: {  	[sflag:s21] =	ssyncset.done $0x0  }
0x183: {  	s9 =	rddreg [dreg:$0x5];
	[sflag:s21] =	ssyncadd.s32 $0xFFFF3800  }
0x184: {  	[tilespmem:s20], [sflag:$0x1] =	stream.linear.gather [hbm4b:s9+s3], $0x2710, $0x38;
	[tilespmem:$0x1EF80] =	vst v63  }
0x185: {  	_ =	swait.ge [sflag:s21], $0x2710  }
0x186: {  	[sflag:s21] =	ssyncset.done $0x0  }
0x187: {  	s5 =	rddreg [dreg:$0x6];
	[sflag:s21] =	ssyncadd.s32 $0xFFFFD8F0  }
0x188: {  	[tilespmem:s23], [sflag:$0x1] =	stream.linear.gather [hbm4b:s5+s3], $0x2710, $0x38;
	[tilespmem:$0x1EF80] =	vst v63  }
0x189: {  	_ =	swait.ge [sflag:s21], $0x2710  }
0x18a: {  	[sflag:s21] =	ssyncset.done $0x0  }
0x18b: {  	s9 =	rddreg [dreg:$0x7];
	[sflag:s21] =	ssyncadd.s32 $0xFFFFD8F0  }
0x18c: {  	[tilespmem:s25], [sflag:$0x1] =	stream.linear.gather [hbm4b:s9+s3], $0x2710, $0x38;
	[tilespmem:$0x1EF80] =	vst v63  }
0x18d: {  	_ =	swait.ge [sflag:s21], $0x2710  }
0x18e: {  	[sflag:s21] =	ssyncset.done $0x0  }
0x18f: {  	s3 =	simm.s32 $0x0;
	[sflag:s21] =	ssyncadd.s32 $0xFFFFD8F0  }
0x190: {  	v2 =	vld [tilespmem:s3+$0xC800];
	_ =	sdelay $0x7  }
0x191: {  	v2 =	vld.idx.msk [tilespmem:v2+s19+$0x0], $0xffff;
	_ =	sdelay $0x4  }
0x192: {  	(erf) = vrcp.f32 v2;
	_ =	sdelay $0x3  }
0x193: {  	s4 =	simm.s32 $0x80;
	s5 =	simm.s32 $0x10;
	v2 =	vld.idx.msk [tilespmem:v1+s3+$0x0 ss:$0x1], $0xffff  }
.LBB2_44:
0x194: {  	p3 =	sne.s32 s4, $0x9C00;
	v3 =	vld [tilespmem:s5+$0xC800];
	_ =	sdelay $0x3  }
0x195: {  	v4 =	vpop (erf)  }
0x196: {  	v2 =	vmul.f32 v2, v4;
	_ =	sdelay $0x1  }
0x197: {  	[tilespmem:s3+$0x13E80] =	vst v2;
	s3 =	smov.u32 s5  }
0x198: {  	v2 =	vld.idx.msk [tilespmem:v3+s19+$0x0], $0xffff;
	_ =	sdelay $0x5  }
.Ltmp21:
0x199: {  	(erf) = vrcp.f32 v2;
	(pc) =	sbr.rel @p3 .LBB2_44-.Ltmp21, $2  }
0x19a: {  	_ =	sdelay $0x2  }
0x19b: {  	s5 =	sshra.s32 s4, $0x2;
	s4 =	sadd.s32 $0x40, s4;
	v2 =	vld.idx.msk [tilespmem:v1+s3+$0x0 ss:$0x1], $0xffff  }
0x19c: {  	v3 =	vld [tilespmem:s5+$0xC800];
	_ =	sdelay $0x3  }
0x19d: {  	v4 =	vpop (erf)  }
0x19e: {  	v2 =	vmul.f32 v2, v4;
	_ =	sdelay $0x1  }
0x19f: {  	[tilespmem:s3+$0x13E80] =	vst v2  }
0x1a0: {  	v2 =	vld.idx.msk [tilespmem:v3+s19+$0x0], $0xffff;
	_ =	sdelay $0x4  }
0x1a1: {  	(erf) = vrcp.f32 v2;
	_ =	sdelay $0x4  }
0x1a2: {  	v2 =	vld.idx.msk [tilespmem:v1+s5+$0x0 ss:$0x1], $0xffff;
	_ =	sdelay $0x3  }
0x1a3: {  	v3 =	vpop (erf)  }
0x1a4: {  	v2 =	vmul.f32 v2, v3;
	_ =	sdelay $0x1  }
0x1a5: {  	s4 =	rddreg [dreg:$0xd];
	s3 =	simm.s32 $0x0;
	[tilespmem:s5+$0x13E80] =	vst v2  }
0x1a6: {  	[hbm4b:s4+s3] =	stream.linear.scatter [tilespmem:s1], [sflag:$0x1], $0x2710, $0x38;
	[tilespmem:$0x1EF80] =	vst v63  }
0x1a7: {  	_ =	swait.ge [sflag:s21], $0x2710  }
0x1a8: {  	[sflag:s21] =	ssyncset.done $0x0  }
0x1a9: {  	s5 =	rddreg [dreg:$0x8];
	[sflag:s21] =	ssyncadd.s32 $0xFFFFD8F0  }
0x1aa: {  	[tilespmem:s20], [sflag:$0x1] =	stream.linear.gather [hbm4b:s5+s3], $0x2710, $0x38;
	[tilespmem:$0x1EF80] =	vst v63  }
0x1ab: {  	_ =	swait.ge [sflag:s21], $0x2710  }
0x1ac: {  	[sflag:s21] =	ssyncset.done $0x0  }
0x1ad: {  	s9 =	rddreg [dreg:$0x9];
	[sflag:s21] =	ssyncadd.s32 $0xFFFFD8F0  }
0x1ae: {  	[tilespmem:s23], [sflag:$0x1] =	stream.linear.gather [hbm4b:s9+s3], $0x2710, $0x38;
	[tilespmem:$0x1EF80] =	vst v63  }
0x1af: {  	_ =	swait.ge [sflag:s21], $0x2710  }
0x1b0: {  	[sflag:s21] =	ssyncset.done $0x0  }
0x1b1: {  	[sflag:s21] =	ssyncadd.s32 $0xFFFFD8F0  }
0x1b2: {  	[tilespmem:s25], [sflag:$0x1] =	stream.linear.gather [hbm4b:s6+s3], $0x2710, $0x38;
	[tilespmem:$0x1EF80] =	vst v63  }
0x1b3: {  	_ =	swait.ge [sflag:s21], $0x2710  }
0x1b4: {  	[sflag:s21] =	ssyncset.done $0x0  }
0x1b5: {  	s3 =	simm.s32 $0x0;
	[sflag:s21] =	ssyncadd.s32 $0xFFFFD8F0  }
0x1b6: {  	v2 =	vld [tilespmem:s3+$0xC800];
	_ =	sdelay $0x7  }
0x1b7: {  	v2 =	vld.idx.msk [tilespmem:v2+s19+$0x0], $0xffff;
	_ =	sdelay $0x4  }
0x1b8: {  	(erf) = vrcp.f32 v2;
	_ =	sdelay $0x3  }
0x1b9: {  	s4 =	simm.s32 $0x80;
	s5 =	simm.s32 $0x10;
	v2 =	vld.idx.msk [tilespmem:v1+s3+$0x0 ss:$0x1], $0xffff  }
.LBB2_46:
0x1ba: {  	p3 =	sne.s32 s4, $0x9C00;
	v3 =	vld [tilespmem:s5+$0xC800];
	_ =	sdelay $0x3  }
0x1bb: {  	v4 =	vpop (erf)  }
0x1bc: {  	v2 =	vmul.f32 v2, v4;
	_ =	sdelay $0x1  }
0x1bd: {  	[tilespmem:s3+$0x13E80] =	vst v2;
	s3 =	smov.u32 s5  }
0x1be: {  	v2 =	vld.idx.msk [tilespmem:v3+s19+$0x0], $0xffff;
	_ =	sdelay $0x5  }
.Ltmp22:
0x1bf: {  	(erf) = vrcp.f32 v2;
	(pc) =	sbr.rel @p3 .LBB2_46-.Ltmp22, $2  }
0x1c0: {  	_ =	sdelay $0x2  }
0x1c1: {  	s5 =	sshra.s32 s4, $0x2;
	s4 =	sadd.s32 $0x40, s4;
	v2 =	vld.idx.msk [tilespmem:v1+s3+$0x0 ss:$0x1], $0xffff  }
0x1c2: {  	v3 =	vld [tilespmem:s5+$0xC800];
	_ =	sdelay $0x3  }
0x1c3: {  	v4 =	vpop (erf)  }
0x1c4: {  	v2 =	vmul.f32 v2, v4;
	_ =	sdelay $0x1  }
0x1c5: {  	[tilespmem:s3+$0x13E80] =	vst v2  }
0x1c6: {  	v2 =	vld.idx.msk [tilespmem:v3+s19+$0x0], $0xffff;
	_ =	sdelay $0x4  }
0x1c7: {  	(erf) = vrcp.f32 v2;
	_ =	sdelay $0x4  }
0x1c8: {  	v2 =	vld.idx.msk [tilespmem:v1+s5+$0x0 ss:$0x1], $0xffff;
	_ =	sdelay $0x3  }
0x1c9: {  	v3 =	vpop (erf)  }
0x1ca: {  	v2 =	vmul.f32 v2, v3;
	_ =	sdelay $0x1  }
0x1cb: {  	s4 =	rddreg [dreg:$0xe];
	[tilespmem:s5+$0x13E80] =	vst v2;
	s5 =	simm.s32 $0x0  }
0x1cc: {  	[hbm4b:s4+s5] =	stream.linear.scatter [tilespmem:s1], [sflag:$0x1], $0x2710, $0x38;
	[tilespmem:$0x1EF80] =	vst v63  }
0x1cd: {  	_ =	swait.ge [sflag:s21], $0x2710  }
0x1ce: {  	[sflag:s21] =	ssyncset.done $0x0  }
0x1cf: {  	[sflag:s21] =	ssyncadd.s32 $0xFFFFD8F0  }
0x1d0: {  	[tilespmem:s20], [sflag:$0x1] =	stream.linear.gather [hbm4b:s7+s5], $0x2710, $0x38;
	[tilespmem:$0x1EF80] =	vst v63  }
0x1d1: {  	_ =	swait.ge [sflag:s21], $0x2710  }
0x1d2: {  	[sflag:s21] =	ssyncset.done $0x0  }
0x1d3: {  	[sflag:s21] =	ssyncadd.s32 $0xFFFFD8F0  }
0x1d4: {  	[tilespmem:s23], [sflag:$0x1] =	stream.linear.gather [hbm4b:s8+s5], $0x2710, $0x38;
	[tilespmem:$0x1EF80] =	vst v63  }
0x1d5: {  	_ =	swait.ge [sflag:s21], $0x2710  }
0x1d6: {  	[sflag:s21] =	ssyncset.done $0x0  }
0x1d7: {  	s9 =	rddreg [dreg:$0xb];
	[sflag:s21] =	ssyncadd.s32 $0xFFFFD8F0  }
0x1d8: {  	[tilespmem:s25], [sflag:$0x1] =	stream.linear.gather [hbm4b:s9+s5], $0x2710, $0x38;
	[tilespmem:$0x1EF80] =	vst v63  }
0x1d9: {  	_ =	swait.ge [sflag:s21], $0x2710  }
0x1da: {  	[sflag:s21] =	ssyncset.done $0x0  }
0x1db: {  	s3 =	simm.s32 $0x0;
	[sflag:s21] =	ssyncadd.s32 $0xFFFFD8F0  }
0x1dc: {  	v2 =	vld [tilespmem:s3+$0xC800];
	_ =	sdelay $0x7  }
0x1dd: {  	v2 =	vld.idx.msk [tilespmem:v2+s19+$0x0], $0xffff;
	_ =	sdelay $0x4  }
0x1de: {  	(erf) = vrcp.f32 v2;
	_ =	sdelay $0x3  }
0x1df: {  	s4 =	simm.s32 $0x80;
	s5 =	simm.s32 $0x10;
	v2 =	vld.idx.msk [tilespmem:v1+s3+$0x0 ss:$0x1], $0xffff  }
.LBB2_48:
0x1e0: {  	p3 =	sne.s32 s4, $0x9C00;
	v3 =	vld [tilespmem:s5+$0xC800];
	_ =	sdelay $0x3  }
0x1e1: {  	v4 =	vpop (erf)  }
0x1e2: {  	v2 =	vmul.f32 v2, v4;
	_ =	sdelay $0x1  }
0x1e3: {  	[tilespmem:s3+$0x13E80] =	vst v2;
	s3 =	smov.u32 s5  }
0x1e4: {  	v2 =	vld.idx.msk [tilespmem:v3+s19+$0x0], $0xffff;
	_ =	sdelay $0x5  }
.Ltmp23:
0x1e5: {  	(erf) = vrcp.f32 v2;
	(pc) =	sbr.rel @p3 .LBB2_48-.Ltmp23, $2  }
0x1e6: {  	_ =	sdelay $0x2  }
0x1e7: {  	s5 =	sshra.s32 s4, $0x2;
	s4 =	sadd.s32 $0x40, s4;
	v2 =	vld.idx.msk [tilespmem:v1+s3+$0x0 ss:$0x1], $0xffff  }
0x1e8: {  	v3 =	vld [tilespmem:s5+$0xC800];
	_ =	sdelay $0x3  }
0x1e9: {  	v4 =	vpop (erf)  }
0x1ea: {  	v2 =	vmul.f32 v2, v4;
	_ =	sdelay $0x1  }
0x1eb: {  	[tilespmem:s3+$0x13E80] =	vst v2  }
0x1ec: {  	v2 =	vld.idx.msk [tilespmem:v3+s19+$0x0], $0xffff;
	_ =	sdelay $0x4  }
0x1ed: {  	(erf) = vrcp.f32 v2;
	_ =	sdelay $0x4  }
0x1ee: {  	v2 =	vld.idx.msk [tilespmem:v1+s5+$0x0 ss:$0x1], $0xffff;
	_ =	sdelay $0x3  }
0x1ef: {  	v3 =	vpop (erf)  }
0x1f0: {  	v2 =	vmul.f32 v2, v3;
	_ =	sdelay $0x1  }
0x1f1: {  	s9 =	simm.s32 $0x0;
	s4 =	rddreg [dreg:$0xf];
	[tilespmem:s5+$0x13E80] =	vst v2  }
0x1f2: {  	[hbm4b:s4+s9] =	stream.linear.scatter [tilespmem:s1], [sflag:$0x1], $0x2710, $0x38;
	[tilespmem:$0x1EF80] =	vst v63  }
0x1f3: {  	_ =	swait.ge [sflag:s21], $0x2710  }
0x1f4: {  	[sflag:s21] =	ssyncset.done $0x0  }
0x1f5: {  	[sflag:s21] =	ssyncadd.s32 $0xFFFFD8F0  }
0x1f6: {  	[tilespmem:s20], [sflag:$0x1] =	stream.linear.gather [hbm4b:s10+s9], $0x2710, $0x38;
	[tilespmem:$0x1EF80] =	vst v63  }
0x1f7: {  	_ =	swait.ge [sflag:s21], $0x2710  }
0x1f8: {  	[sflag:s21] =	ssyncset.done $0x0  }
0x1f9: {  	[sflag:s21] =	ssyncadd.s32 $0xFFFFD8F0  }
0x1fa: {  	[tilespmem:s23], [sflag:$0x1] =	stream.linear.gather [hbm4b:s11+s9], $0x2710, $0x38;
	[tilespmem:$0x1EF80] =	vst v63  }
0x1fb: {  	_ =	swait.ge [sflag:s21], $0x2710  }
0x1fc: {  	[sflag:s21] =	ssyncset.done $0x0  }
0x1fd: {  	[sflag:s21] =	ssyncadd.s32 $0xFFFFD8F0  }
0x1fe: {  	[tilespmem:s25], [sflag:$0x1] =	stream.linear.gather [hbm4b:s12+s9], $0x2710, $0x38;
	[tilespmem:$0x1EF80] =	vst v63  }
0x1ff: {  	_ =	swait.ge [sflag:s21], $0x2710  }
0x200: {  	[sflag:s21] =	ssyncset.done $0x0  }
0x201: {  	s3 =	simm.s32 $0x0;
	[sflag:s21] =	ssyncadd.s32 $0xFFFFD8F0  }
0x202: {  	v2 =	vld [tilespmem:s3+$0xC800];
	_ =	sdelay $0x7  }
0x203: {  	v2 =	vld.idx.msk [tilespmem:v2+s19+$0x0], $0xffff;
	_ =	sdelay $0x4  }
0x204: {  	(erf) = vrcp.f32 v2;
	_ =	sdelay $0x3  }
0x205: {  	s5 =	simm.s32 $0x10;
	s4 =	simm.s32 $0x80;
	v2 =	vld.idx.msk [tilespmem:v1+s3+$0x0 ss:$0x1], $0xffff  }
.LBB2_50:
0x206: {  	p3 =	sne.s32 s4, $0x9C00;
	v3 =	vld [tilespmem:s5+$0xC800];
	_ =	sdelay $0x3  }
0x207: {  	v4 =	vpop (erf)  }
0x208: {  	v2 =	vmul.f32 v2, v4;
	_ =	sdelay $0x1  }
0x209: {  	[tilespmem:s3+$0x13E80] =	vst v2;
	s3 =	smov.u32 s5  }
0x20a: {  	v2 =	vld.idx.msk [tilespmem:v3+s19+$0x0], $0xffff;
	_ =	sdelay $0x5  }
.Ltmp24:
0x20b: {  	(erf) = vrcp.f32 v2;
	(pc) =	sbr.rel @p3 .LBB2_50-.Ltmp24, $2  }
0x20c: {  	_ =	sdelay $0x2  }
0x20d: {  	s5 =	sshra.s32 s4, $0x2;
	s4 =	sadd.s32 $0x40, s4;
	v2 =	vld.idx.msk [tilespmem:v1+s3+$0x0 ss:$0x1], $0xffff  }
0x20e: {  	v3 =	vld [tilespmem:s5+$0xC800];
	_ =	sdelay $0x3  }
0x20f: {  	v4 =	vpop (erf)  }
0x210: {  	v2 =	vmul.f32 v2, v4;
	_ =	sdelay $0x1  }
0x211: {  	[tilespmem:s3+$0x13E80] =	vst v2  }
0x212: {  	v2 =	vld.idx.msk [tilespmem:v3+s19+$0x0], $0xffff;
	_ =	sdelay $0x4  }
0x213: {  	(erf) = vrcp.f32 v2;
	_ =	sdelay $0x4  }
0x214: {  	v2 =	vld.idx.msk [tilespmem:v1+s5+$0x0 ss:$0x1], $0xffff;
	_ =	sdelay $0x3  }
0x215: {  	v3 =	vpop (erf)  }
0x216: {  	v2 =	vmul.f32 v2, v3;
	_ =	sdelay $0x1  }
0x217: {  	s9 =	simm.s32 $0x0;
	s4 =	rddreg [dreg:$0x10];
	[tilespmem:s5+$0x13E80] =	vst v2  }
0x218: {  	[hbm4b:s4+s9] =	stream.linear.scatter [tilespmem:s1], [sflag:$0x1], $0x2710, $0x38;
	[tilespmem:$0x1EF80] =	vst v63  }
0x219: {  	_ =	swait.ge [sflag:s21], $0x2710  }
0x21a: {  	[sflag:s21] =	ssyncset.done $0x0  }
0x21b: {  	[sflag:s21] =	ssyncadd.s32 $0xFFFFD8F0  }
0x21c: {  	[tilespmem:s20], [sflag:$0x1] =	stream.linear.gather [hbm4b:s13+s9], $0x2710, $0x38;
	[tilespmem:$0x1EF80] =	vst v63  }
0x21d: {  	_ =	swait.ge [sflag:s21], $0x2710  }
0x21e: {  	[sflag:s21] =	ssyncset.done $0x0  }
0x21f: {  	[sflag:s21] =	ssyncadd.s32 $0xFFFFD8F0  }
0x220: {  	[tilespmem:s23], [sflag:$0x1] =	stream.linear.gather [hbm4b:s14+s9], $0x2710, $0x38;
	[tilespmem:$0x1EF80] =	vst v63  }
0x221: {  	_ =	swait.ge [sflag:s21], $0x2710  }
0x222: {  	[sflag:s21] =	ssyncset.done $0x0  }
0x223: {  	[sflag:s21] =	ssyncadd.s32 $0xFFFFD8F0  }
0x224: {  	[tilespmem:s25], [sflag:$0x1] =	stream.linear.gather [hbm4b:s15+s9], $0x2710, $0x38;
	[tilespmem:$0x1EF80] =	vst v63  }
0x225: {  	_ =	swait.ge [sflag:s21], $0x2710  }
0x226: {  	[sflag:s21] =	ssyncset.done $0x0  }
0x227: {  	s3 =	simm.s32 $0x0;
	[sflag:s21] =	ssyncadd.s32 $0xFFFFD8F0  }
0x228: {  	v2 =	vld [tilespmem:s3+$0xC800];
	_ =	sdelay $0x7  }
0x229: {  	v2 =	vld.idx.msk [tilespmem:v2+s19+$0x0], $0xffff;
	_ =	sdelay $0x4  }
0x22a: {  	(erf) = vrcp.f32 v2;
	_ =	sdelay $0x3  }
0x22b: {  	s5 =	simm.s32 $0x10;
	s4 =	simm.s32 $0x80;
	v2 =	vld.idx.msk [tilespmem:v1+s3+$0x0 ss:$0x1], $0xffff  }
.LBB2_52:
0x22c: {  	p3 =	sne.s32 s4, $0x9C00;
	v3 =	vld [tilespmem:s5+$0xC800];
	_ =	sdelay $0x3  }
0x22d: {  	v4 =	vpop (erf)  }
0x22e: {  	v2 =	vmul.f32 v2, v4;
	_ =	sdelay $0x1  }
0x22f: {  	[tilespmem:s3+$0x13E80] =	vst v2;
	s3 =	smov.u32 s5  }
0x230: {  	v2 =	vld.idx.msk [tilespmem:v3+s19+$0x0], $0xffff;
	_ =	sdelay $0x5  }
.Ltmp25:
0x231: {  	(erf) = vrcp.f32 v2;
	(pc) =	sbr.rel @p3 .LBB2_52-.Ltmp25, $2  }
0x232: {  	_ =	sdelay $0x2  }
0x233: {  	s5 =	sshra.s32 s4, $0x2;
	s4 =	sadd.s32 $0x40, s4;
	v2 =	vld.idx.msk [tilespmem:v1+s3+$0x0 ss:$0x1], $0xffff  }
0x234: {  	v3 =	vld [tilespmem:s5+$0xC800];
	_ =	sdelay $0x3  }
0x235: {  	v4 =	vpop (erf)  }
0x236: {  	v2 =	vmul.f32 v2, v4;
	_ =	sdelay $0x1  }
0x237: {  	[tilespmem:s3+$0x13E80] =	vst v2  }
0x238: {  	v2 =	vld.idx.msk [tilespmem:v3+s19+$0x0], $0xffff;
	_ =	sdelay $0x4  }
0x239: {  	(erf) = vrcp.f32 v2;
	_ =	sdelay $0x4  }
0x23a: {  	v1 =	vld.idx.msk [tilespmem:v1+s5+$0x0 ss:$0x1], $0xffff;
	_ =	sdelay $0x3  }
0x23b: {  	v2 =	vpop (erf)  }
0x23c: {  	v1 =	vmul.f32 v1, v2;
	_ =	sdelay $0x1  }
0x23d: {  	[tilespmem:s5+$0x13E80] =	vst v1;
	s5 =	rddreg [dreg:$0x11]  }
0x23e: {  	[hbm4b:s5+s19] =	stream.linear.scatter [tilespmem:s1], [sflag:$0x1], $0x2710, $0x38;
	[tilespmem:$0x1EF80] =	vst v63  }
0x23f: {  	_ =	swait.ge [sflag:s21], $0x2710  }
0x240: {  	s2 =	sadd.s32 $0x1, s2;
	s9 =	rddreg [dreg:$0x13]  }
0x241: {  	p3 =	sne.s32 s2, s9  }
.Ltmp26:
0x242: {  	_ = 	snop;
	(pc) =	sbr.rel @p3 .LBB2_1-.Ltmp26, $3  }
0x243: {  	_ =	sdelay $0x1  }
0x244: {  	[sflag:s21] =	ssyncset.done $0x0  }
0x245: {  	[sflag:s21] =	ssyncadd.s32 $0xFFFFD8F0  }
0x246: {  	_ =	sfence.sel $0x180000  }
0x247: {  	[bflag:$0x0] =	sbarrier.arrive $0xFFFF  }
0x248: {  	_ =	strace $0x90000047  }
0x249: {  	s0 =	stileid.u32;
	[bflag:$0x2] =	sbarrier.arrive $0xFFFF  }
0x24a: {  	p0 =	sne.s32 s0, $0x0;
	s0 =	rddreg [dreg:$0x4]  }
0x24b: {  	s0 =	sadd.s32 @!p0 $0x100000, s0  }
0x24c: {  	[sflag:s0] =	ssyncadd.tile.s32 @!p0 $0x1;
	_ =	shalt  }
.Lfunc_end2:
_tile_overlayer_lowered:
.L_overlay_start_2:
0x24d: {  	(tag) =	ssettag $0x2  }
0x24e: {  	s0 =	rddreg [dreg:$0x0];
	s2 =	stileid.u32  }
0x24f: {  	s1 =	rddreg [dreg:$0x1];
	p0 =	sne.s32 s2, $0x0  }
0x250: {  	s3 =	rddreg [dreg:$0x2];
	[bflag:$0x3] =	sbarrier.arrive $0xFFFF;
	s2 =	simm.s32 @!p0 $0x1C01  }
0x251: {  	[timem:s3], [sflag:s2] =	dma.local @!p0 [hbm:s0], s1  }
0x252: {  	s0 =	simm.s32 @!p0 $0x1  }
0x253: {  	_ =	swait.ge @!p0 [sflag:s0], s1  }
0x254: {  	s1 =	ssub.s32 @!p0 $0x0, s1;
	[sflag:s0] =	ssyncset.done @!p0 $0x0  }
0x255: {  	[sflag:s0] =	ssyncadd.s32 @!p0 s1  }
0x256: {  	[bflag:$0x3] =	sbarrier.arrive $0xFFFF  }
0x257: {  	_ =	shalt  }

// kernel: sparse-core-data-format-call.1.cloned.1.call-start
scs
called_computation.1_lowered:
.L_overlay_start_0:
0x0: {  	s2 =	sld [smem:$0x3FD9]  }
0x1: {  	s3 =	sld [smem:$0x3FFE];
	_ =	sdelay $0x1  }
0x2: {  	s1 =	srdreg.scid  }
0x3: {  	s0 =	sand.u32 $0x1, s1  }
0x4: {  	s15 =	sshll.u32 s0, $0xA;
	s2 =	sadd.s32 s3, s2  }
0x5: {  	s2 =	sadd.s32 s2, s15  }
0x6: {  	[smem:$0x3FC0] =	sst s2  }
0x7: {  	_ = 	snop  }
0x8: {  	s2 =	sld [smem:$0x3FD0];
	_ =	sdelay $0x2  }
0x9: {  	s16 =	simm.s32 $0xB;
	s4 =	simm.s32 $0x10  }
0xa: {  	[smem:s4], [sflag:s16] =	dma.local [hbm:s2], $0x1  }
0xb: {  	_ =	swait.eq [sflag:s16], $0x1  }
0xc: {  	[sflag:s16] =	ssyncset.done $0x0  }
0xd: {  	[sflag:s16] =	ssyncadd.s32 $0xFFFFFFFF  }
0xe: {  	s17 =	sld [smem:$0x10];
	(tm) =	ssettm $0x1  }
0xf: {  	s18 =	sld [smem:$0x3FFB];
	_ =	sdelay $0x3  }
0x10: {  	_ =	strace s18  }
0x11: {  	s3 =	sld [smem:$0x3FFC];
	_ =	sdelay $0x3  }
0x12: {  	_ =	strace s3  }
0x13: {  	s3 =	sld [smem:$0x3FFD];
	_ =	sdelay $0x3  }
0x14: {  	_ =	strace s3  }
0x15: {  	_ =	strace $0x8FFFFFFF  }
0x16: {  	s19 =	sld [smem:$0x3FDB];
	_ =	sdelay $0x1  }
0x17: {  	s20 =	simm.s32 $_scs_section_size  }
0x18: {  	s5 =	simm.s32 $_size__tile_overlayer_lowered;
	s6 =	simm.s32 $_tile_overlayer_lowered  }
0x19: {  	s23 =	simm.s32 $0x1BFF;
	s22 =	sshll.u32 s6, $0x1;
	s3 =	sadd.s32 s20, s19  }
0x1a: {  	s7 =	simm.s32 $0x0;
	s21 =	sshll.u32 s5, $0x1;
	s5 =	sadd.s32 s22, s3  }
0x1b: {  	[timem:s7], [sflag:s23] =	dma.local [hbm:s5], s21  }
0x1c: {  	_ =	swait.ge [sflag:s23], s21  }
0x1d: {  	s4 =	ssub.s32 $0x0, s21;
	[sflag:s23] =	ssyncset.done $0x0  }
0x1e: {  	[sflag:s23] =	ssyncadd.s32 s4;
	_ =	sdelay $0x1  }
0x1f: {  	s24 =	simm.s32 $0x1B8B  }
0x20: {  	_ =	swait.ge [sflag:s24], $0x1  }
0x21: {  	[sflag:s24] =	ssyncset.done $0x0  }
0x22: {  	s26 =	simm.s32 $0x1B8E;
	s25 =	sld [smem:$0x3FFE];
	[sflag:s24] =	ssyncadd.s32 $0xFFFFFFFF  }
0x23: {  	s27 =	simm.s32 $execute0_lowered;
	[smem:$0x3FD2] =	sst s26  }
0x24: {  	s5 =	sshll.u32 s27, $0x1;
	_ =	strace $0x80000049;
	[dreg:$0x1] =	wrdreg $0xFFFFFFFF  }
0x25: {  	s28 =	simm.s32 $_size_execute0_lowered;
	s3 =	sadd.s32 s3, s5;
	[dreg:$0x0] =	wrdreg $0x0  }
0x26: {  	s5 =	sshll.u32 s28, $0x1;
	[dreg:$0x2] =	wrdreg s3  }
0x27: {  	[dreg:$0x3] =	wrdreg s5  }
0x28: {  	[dreg:$0x4] =	wrdreg $0xC0  }
0x29: {  	_ =	task [dreg:s7], $0x5FFFF  }
0x2a: {  	[dreg:$0x1] =	wrdreg $0xFFFFFFFF  }
0x2b: {  	[dreg:$0x0] =	wrdreg $0x60  }
0x2c: {  	[dreg:$0x2] =	wrdreg s25  }
0x2d: {  	[dreg:$0x3] =	wrdreg s17  }
0x2e: {  	[dreg:$0x4] =	wrdreg $0xA  }
0x2f: {  	_ =	task.clear_ibuf [dreg:s7], $0x5FFFF;
	_ =	strace $0x90000049  }
0x30: {  	s29 =	simm.s32 $0xA;
	_ =	strace $0x8000004B  }
0x31: {  	_ =	swait.ge [sflag:s29], $0x1  }
0x32: {  	[sflag:s29] =	ssyncadd.s32 $0xFFFFFFFF  }
0x33: {  	_ =	strace $0x9000004B  }
0x34: {  	_ =	sfence  }
0x35: {  	s30 =	sld [smem:$0x0];
	_ =	sdelay $0x2  }
0x36: {  	s31 =	sshll.u32 s1, $0xD;
	s1 =	sshrl.u32 s1, $0x2  }
0x37: {  	s3 =	sand.u32 $0x4000, s31;
	s1 =	sadd.s32 s1, s30  }
0x38: {  	s0 =	sor.u32 s3, s0;
	s1 =	sshll.u32 s1, $0x11  }
0x39: {  	s0 =	sor.u32 s1, s0  }
0x3a: {  	s0 =	sadd.s32 $0x8F2B, s0  }
0x3b: {  	[sflag:s0] =	ssyncadd.remote.s32 $0x1  }
0x3c: {  	_ =	sfence.sel $0xFFFF  }
0x3d: {  	[dreg:$0x0] =	wrdreg $0xFFFFFFFF;
	(pc) =	sbr.abs _section_cstart, $3  }
0x3e: {  	[dreg:$0x1] =	wrdreg $0xFFFFFFFF  }
0x3f: {  	_ =	task.clear_ibuf [dreg:s7], $0x2FFFF;
	_ =	strace $0x9FFFFFFF  }
0x40: {  	(tm) =	ssettm $0x7FFFFFFF  }
0x41: {  	_ =	shalt  }
tec
execute0_lowered:
.L_overlay_start_1:
0x0: {  	(tag) =	ssettag $0x1  }
0x1: {  	s0 =	srdreg.scid  }
0x2: {  	s1 =	sshll.u32 s0, $0x4  }
0x3: {  	s4 =	rddreg [dreg:$0x0];
	s0 =	stileid.u32;
	s1 =	sand.u32 $0x10, s1  }
0x4: {  	s2 =	rddreg [dreg:$0x1];
	s7 =	simm.s32 $0x1;
	s1 =	sor.u32 s0, s1  }
0x5: {  	s8 =	simm.s32 $0x2;
	s11 =	simm.s32 $0x0;
	s3 =	sshll.u32 s1, $0x7  }
0x6: {  	s10 =	simm.s32 $0x0;
	s4 =	sadd.s32 $0x3D2000, s4;
	s6 =	ssub.s32 $0xC3500, s3  }
.Ltmp0:
0x7: {  	s1 =	rddreg [dreg:$0x2];
	s5 =	sand.u32 $0xF80, s6;
	(pc) =	sbr.rel .LBB1_1-.Ltmp0, $4  }
0x8: {  	_ =	strace $0x8000004A;
	s9 =	smov.u32 s3;
	p0 =	sne.s32 s5, $0x0  }
0x9: {  	s6 =	sshrl.u32 s6, $0xC;
	s5 =	simm.s32 $0x1;
	s7 =	simm.s32 @!p0 $0x0  }
0xa: {  	[sflag:s5] =	ssyncpa.u1 $0x0;
	p0 =	por $0x0, $0x0;
	s6 =	sadd.s32 s7, s6  }
0xb: {  	[sflag:s8] =	ssyncpa.u1 $0x0;
	s8 =	simm.s32 $0x61A800;
	s7 =	sadd.s32 $0x1, s6  }
.LBB1_4:
0xc: {  	s14 =	sshll.u32 s11, $0x3  }
0xd: {  	s14 =	sand.u32 $0xFFFFFC00, s14  }
0xe: {  	s15 =	sshrl.u32 s14, $0x8  }
0xf: {  	s15 =	smulhi.u32 $0x14F8B59, s15;
	_ =	sdelay $0x1  }
0x10: {  	s15 =	sshrl.u32 s15, $0x4  }
0x11: {  	s28 =	sand.u32 $0x7F, s11;
	s16 =	smul.u32 $0xC3500, s15  }
0x12: {  	s11 =	sor.u32 s28, s14  }
0x13: {  	s29 =	sand.u32 $0x1F, s15;
	s11 =	ssub.s32 s11, s16  }
0x14: {  	s14 =	smul.u32 $0x186A0, s29;
	s30 =	sshrl.u32 s11, $0x3;
	s11 =	sand.u32 $0x7, s11  }
0x15: {  	s15 =	sadd.s32 s2, s30;
	s11 =	sshll.u32 s11, $0x12  }
0x16: {  	[tilespmem:s13+$0x0 ss:$0x81] =	vst.msk $0xffff, v0;
	s31 =	sadd.s32 s14, s15;
	s11 =	sor.u32 $0x400, s11  }
0x17: {  	[hbm4b:s31+s11] =	stream.strided.scatter [tilespmem:s12], [sflag:$0x2], $0x1000, s8, s11, $0x20;
	[tilespmem:$0x4040] =	vst v63  }
.LBB1_5:
0x18: {  	s13 =	sadd.s32 $0x1000, s9  }
0x19: {  	p2 =	sgt.s32 s13, $0xC34FF  }
0x1a: {  	s13 =	smov.u32 @p2 s3;
	p2 =	sne.s32 s10, s7  }
.Ltmp1:
0x1b: {  	p1 =	slt.u32 s10, $0x2;
	(pc) =	sbr.rel @!p2 .LBB1_6-.Ltmp1, $4  }
0x1c: {  	s12 =	simm.s32 @!p1 $0x2  }
0x1d: {  	s14 =	sadd.s32 $0x1, s10;
	_ =	swait.ge @!p1 [sflag:s12], $0x1000  }
0x1e: {  	s11 =	smov.u32 s9;
	p0 =	por !p0, !p0;
	[sflag:s12] =	ssyncset.done @!p1 $0x0  }
0x1f: {  	s10 =	smov.u32 s14;
	s9 =	smov.u32 s13;
	[sflag:s12] =	ssyncadd.s32 @!p1 $0xFFFFF000  }
.LBB1_1:
0x20: {  	p1 =	sge.u32 s10, s6  }
0x21: {  	s12 =	sand.u32 @!p1 $0x1FFFFFF, s9  }
0x22: {  	s13 =	smulhi.u32 @!p1 $0x14F8B59, s12;
	_ =	sdelay $0x1  }
0x23: {  	s13 =	sshrl.u32 @!p1 s13, $0xC  }
0x24: {  	s13 =	smul.u32 @!p1 $0xC3500, s13;
	_ =	sdelay $0x1  }
0x25: {  	s31 =	sadd.s32 $0xFFFFFFFF, s10;
	s14 =	sxor.u32 @!p1 $0xFFFFFFFF, s10;
	s12 =	ssub.s32 @!p1 s12, s13  }
0x26: {  	s15 =	simm.s32 @!p1 $0x80;
	s14 =	sshll.u32 @!p1 s14, $0xC;
	s12 =	sshll.u32 @!p1 s12, $0x4  }
0x27: {  	s13 =	sand.u32 @!p1 $0x1000, s14;
	s14 =	simm.s32 @!p1 $0x20;
	s12 =	sadd.s32 @!p1 s4, s12  }
0x28: {  	[tilespmem:s13], [sflag:$0x1] =	stream.strided.gather @!p1 [hbm4b:s12+s14], $0x1000, s15, s14, $0x38;
	[tilespmem:$0x4040] =	vst v63  }
0x29: {  	p1 =	sge.u32 s31, s6  }
.Ltmp2:
0x2a: {  	_ = 	snop;
	(pc) =	sbr.rel @p1 .LBB1_5-.Ltmp2, $1  }
0x2b: {  	_ =	sdelay $0x3  }
0x2c: {  	s12 =	simm.s32 $0x1  }
0x2d: {  	_ =	swait.ge [sflag:s5], $0x1000;
	s12 =	simm.s32 @!p0 $0x0  }
0x2e: {  	[sflag:s5] =	ssyncset.done $0x0;
	s13 =	sshll.u32 s12, $0xC  }
0x2f: {  	[sflag:s5] =	ssyncadd.s32 $0xFFFFF000;
	s16 =	sor.u32 $0x10, s13  }
0x30: {  	s12 =	smul.u32 $0x4080, s12;
	v1 =	vld [tilespmem:s16+$0x0]  }
0x31: {  	s30 =	sand.u32 $0x1, s10;
	v0 =	vld [tilespmem:s16+$0xFFFFFFF0]  }
0x32: {  	s13 =	smul.u32 $0x4080, s30;
	s12 =	sshrl.u32 s12, $0x2  }
0x33: {  	s14 =	sor.u32 $0x2000, s12  }
0x34: {  	s31 =	sshrl.u32 s13, $0x2;
	s13 =	sadd.s32 $0x0, s14  }
0x35: {  	s15 =	simm.s32 $0x4;
	s16 =	sadd.s32 $0x20, s16;
	s12 =	sor.u32 $0x2000, s31;
	[tilespmem:s13+$0x810 ss:$0x81] =	vst.msk $0xffff, v1  }
.LBB1_3:
0x36: {  	v1 =	vld [tilespmem:s16+$0x0];
	p1 =	sne.s32 s15, $0x1FC;
	[tilespmem:s13+$0x0 ss:$0x81] =	vst.msk $0xffff, v0;
	s13 =	smov.u32 s15;
	s15 =	sadd.s32 $0x4, s15  }
.Ltmp3:
0x37: {  	v0 =	vld [tilespmem:s16+$0xFFFFFFF0];
	(pc) =	sbr.rel @p1 .LBB1_3-.Ltmp3, $4  }
0x38: {  	_ = 	snop  }
0x39: {  	s13 =	sshra.s32 s13, $0x2  }
0x3a: {  	s13 =	sadd.s32 s13, s14  }
0x3b: {  	s16 =	sadd.s32 $0x20, s16;
	[tilespmem:s13+$0x810 ss:$0x81] =	vst.msk $0xffff, v1  }
.Ltmp4:
0x3c: {  	_ = 	snop;
	(pc) =	sbr.rel .LBB1_4-.Ltmp4, $1  }
0x3d: {  	_ =	sdelay $0x3  }
.LBB1_6:
0x3e: {  	_ =	sfence.sel $0x180000  }
0x3f: {  	s2 =	simm.s32 $0x1;
	[bflag:$0x0] =	sbarrier.arrive $0xFFFF  }
0x40: {  	s31 =	simm.s32 $0x2;
	[sflag:s2] =	ssyncpa.u1 $0x1  }
0x41: {  	[sflag:s31] =	ssyncpa.u1 $0x1  }
0x42: {  	p0 =	sne.s32 s0, $0x0;
	_ =	strace $0x9000004A  }
0x43: {  	s0 =	sadd.s32 @!p0 $0x100000, s1;
	[bflag:$0x2] =	sbarrier.arrive $0xFFFF  }
0x44: {  	[sflag:s0] =	ssyncadd.tile.s32 @!p0 $0x1;
	_ =	shalt  }
.Lfunc_end1:
_tile_overlayer_lowered:
.L_overlay_start_2:
0x45: {  	(tag) =	ssettag $0x2  }
0x46: {  	s0 =	rddreg [dreg:$0x0];
	s2 =	stileid.u32  }
0x47: {  	s1 =	rddreg [dreg:$0x1];
	p0 =	sne.s32 s2, $0x0  }
0x48: {  	s3 =	rddreg [dreg:$0x2];
	[bflag:$0x3] =	sbarrier.arrive $0xFFFF;
	s2 =	simm.s32 @!p0 $0x1C01  }
0x49: {  	[timem:s3], [sflag:s2] =	dma.local @!p0 [hbm:s0], s1  }
0x4a: {  	s0 =	simm.s32 @!p0 $0x1  }
0x4b: {  	_ =	swait.ge @!p0 [sflag:s0], s1  }
0x4c: {  	s1 =	ssub.s32 @!p0 $0x0, s1;
	[sflag:s0] =	ssyncset.done @!p0 $0x0  }
0x4d: {  	[sflag:s0] =	ssyncadd.s32 @!p0 s1  }
0x4e: {  	[bflag:$0x3] =	sbarrier.arrive $0xFFFF  }
0x4f: {  	_ =	shalt  }

// kernel: sparse-core-data-format-call.cloned.1.call-start
scs
called_computation_lowered:
.L_overlay_start_0:
0x0: {  	s2 =	sld [smem:$0x3FD9]  }
0x1: {  	s3 =	sld [smem:$0x3FFE];
	_ =	sdelay $0x1  }
0x2: {  	s1 =	srdreg.scid  }
0x3: {  	s0 =	sand.u32 $0x1, s1  }
0x4: {  	s16 =	sshll.u32 s0, $0xA;
	s2 =	sadd.s32 s3, s2  }
0x5: {  	s2 =	sadd.s32 s2, s16  }
0x6: {  	[smem:$0x3FC0] =	sst s2  }
0x7: {  	_ = 	snop  }
0x8: {  	s2 =	sld [smem:$0x3FD0];
	_ =	sdelay $0x2  }
0x9: {  	s17 =	simm.s32 $0xB;
	s4 =	simm.s32 $0x10  }
0xa: {  	[smem:s4], [sflag:s17] =	dma.local [hbm:s2], $0x1  }
0xb: {  	_ =	swait.eq [sflag:s17], $0x1  }
0xc: {  	[sflag:s17] =	ssyncset.done $0x0  }
0xd: {  	[sflag:s17] =	ssyncadd.s32 $0xFFFFFFFF  }
0xe: {  	s18 =	sld [smem:$0x11];
	(tm) =	ssettm $0x1  }
0xf: {  	s19 =	sld [smem:$0x3FFB];
	_ =	sdelay $0x3  }
0x10: {  	_ =	strace s19  }
0x11: {  	s2 =	sld [smem:$0x3FFC];
	_ =	sdelay $0x3  }
0x12: {  	_ =	strace s2  }
0x13: {  	s2 =	sld [smem:$0x3FFD];
	_ =	sdelay $0x3  }
0x14: {  	_ =	strace s2  }
0x15: {  	_ =	strace $0x8FFFFFFF  }
0x16: {  	s20 =	sld [smem:$0x3FDB];
	_ =	sdelay $0x1  }
0x17: {  	s21 =	simm.s32 $_scs_section_size  }
0x18: {  	s5 =	simm.s32 $_size__tile_overlayer_lowered;
	s6 =	simm.s32 $_tile_overlayer_lowered  }
0x19: {  	s7 =	simm.s32 $0x1BFF;
	s22 =	sshll.u32 s6, $0x1;
	s4 =	sadd.s32 s21, s20  }
0x1a: {  	s23 =	simm.s32 $0x0;
	s5 =	sshll.u32 s5, $0x1;
	s6 =	sadd.s32 s22, s4  }
0x1b: {  	[timem:s23], [sflag:s7] =	dma.local [hbm:s6], s5  }
0x1c: {  	_ =	swait.ge [sflag:s7], s5  }
0x1d: {  	s5 =	ssub.s32 $0x0, s5;
	[sflag:s7] =	ssyncset.done $0x0  }
0x1e: {  	[sflag:s7] =	ssyncadd.s32 s5;
	_ =	sdelay $0x1  }
0x1f: {  	s24 =	simm.s32 $0x1B8B  }
0x20: {  	_ =	swait.ge [sflag:s24], $0x1  }
0x21: {  	[sflag:s24] =	ssyncset.done $0x0  }
0x22: {  	[sflag:s24] =	ssyncadd.s32 $0xFFFFFFFF  }
0x23: {  	s5 =	sld [smem:$0x0]  }
0x24: {  	s6 =	sand.u32 $0xFFFFFFFE, s1  }
0x25: {  	p0 =	sne.s32 s1, s6  }
0x26: {  	s6 =	sshll.u32 @p0 s6, $0xE  }
0x27: {  	s6 =	sadd.s32 @p0 $0x11B8D, s6;
	s7 =	sshll.u32 @p0 s5, $0x11  }
0x28: {  	s6 =	sor.u32 @p0 s7, s6  }
0x29: {  	[sflag:s6] =	ssyncadd.remote.s32 @p0 $0x1;
	_ =	sdelay $0x1  }
0x2a: {  	s6 =	simm.s32 @p0 $0x1B8D  }
0x2b: {  	_ =	swait.eq @p0 [sflag:s6], $0x1  }
0x2c: {  	[sflag:s6] =	ssyncadd.s32 @p0 $0xFFFFFFFF  }
0x2d: {  	s7 =	sshll.u32 @!p0 s1, $0xE  }
0x2e: {  	s7 =	sor.u32 @!p0 $0x4000, s7;
	s6 =	simm.s32 @!p0 $0x1B8D  }
0x2f: {  	s5 =	sshll.u32 @!p0 s5, $0x11;
	s7 =	sadd.s32 @!p0 $0x11B8D, s7;
	_ =	swait.eq @!p0 [sflag:s6], $0x1  }
0x30: {  	s5 =	sor.u32 @!p0 s5, s7;
	[sflag:s6] =	ssyncadd.s32 @!p0 $0xFFFFFFFF  }
0x31: {  	s26 =	simm.s32 $0x1B8E;
	s25 =	sld [smem:$0x3FFE];
	[sflag:s5] =	ssyncadd.remote.s32 @!p0 $0x1  }
0x32: {  	s27 =	simm.s32 $execute0_lowered;
	[smem:$0x3FD2] =	sst s26  }
0x33: {  	s6 =	sshll.u32 s27, $0x1;
	_ =	strace $0x8000004C;
	[dreg:$0x1] =	wrdreg $0xFFFFFFFF  }
0x34: {  	s28 =	simm.s32 $_size_execute0_lowered;
	s4 =	sadd.s32 s4, s6;
	[dreg:$0x0] =	wrdreg $0x0  }
0x35: {  	s6 =	sshll.u32 s28, $0x1;
	[dreg:$0x2] =	wrdreg s4  }
0x36: {  	[dreg:$0x3] =	wrdreg s6  }
0x37: {  	[dreg:$0x4] =	wrdreg $0xC0  }
0x38: {  	_ =	task [dreg:s23], $0x5FFFF  }
0x39: {  	[dreg:$0x1] =	wrdreg $0xFFFFFFFF  }
0x3a: {  	[dreg:$0x0] =	wrdreg $0x60  }
0x3b: {  	[dreg:$0x2] =	wrdreg s25  }
0x3c: {  	[dreg:$0x3] =	wrdreg s18  }
0x3d: {  	[dreg:$0x4] =	wrdreg $0x9  }
0x3e: {  	_ =	task.clear_ibuf [dreg:s23], $0x5FFFF;
	_ =	strace $0x9000004C  }
0x3f: {  	s29 =	simm.s32 $0x9;
	_ =	strace $0x8000004E  }
0x40: {  	_ =	swait.ge [sflag:s29], $0x1  }
0x41: {  	[sflag:s29] =	ssyncadd.s32 $0xFFFFFFFF  }
0x42: {  	_ =	strace $0x9000004E  }
0x43: {  	_ =	sfence  }
0x44: {  	s30 =	sld [smem:$0x0];
	_ =	sdelay $0x2  }
0x45: {  	s31 =	sshll.u32 s1, $0xD;
	s1 =	sshrl.u32 s1, $0x2  }
0x46: {  	s4 =	sand.u32 $0x4000, s31;
	s1 =	sadd.s32 s1, s30  }
0x47: {  	s0 =	sor.u32 s4, s0;
	s1 =	sshll.u32 s1, $0x11  }
0x48: {  	s0 =	sor.u32 s1, s0  }
0x49: {  	s0 =	sadd.s32 $0x8F2B, s0  }
0x4a: {  	[sflag:s0] =	ssyncadd.remote.s32 $0x1  }
0x4b: {  	_ =	sfence.sel $0xFFFF  }
0x4c: {  	[dreg:$0x0] =	wrdreg $0xFFFFFFFF;
	(pc) =	sbr.abs _section_cstart, $3  }
0x4d: {  	[dreg:$0x1] =	wrdreg $0xFFFFFFFF  }
0x4e: {  	_ =	task.clear_ibuf [dreg:s23], $0x2FFFF;
	_ =	strace $0x9FFFFFFF  }
0x4f: {  	(tm) =	ssettm $0x7FFFFFFF  }
tec
execute0_lowered:
.L_overlay_start_1:
0x0: {  	(tag) =	ssettag $0x1  }
0x1: {  	s0 =	srdreg.scid  }
0x2: {  	s1 =	sshll.u32 s0, $0x4  }
0x3: {  	s4 =	rddreg [dreg:$0x0];
	s0 =	stileid.u32;
	s1 =	sand.u32 $0x10, s1  }
0x4: {  	s2 =	rddreg [dreg:$0x1];
	s7 =	simm.s32 $0x1;
	s1 =	sor.u32 s0, s1  }
0x5: {  	s8 =	simm.s32 $0x2;
	s11 =	simm.s32 $0x0;
	s3 =	sshll.u32 s1, $0x7  }
0x6: {  	s10 =	simm.s32 $0x0;
	s4 =	sadd.s32 $0x1007000, s4;
	s6 =	ssub.s32 $0xC3500, s3  }
.Ltmp0:
0x7: {  	s1 =	rddreg [dreg:$0x2];
	s5 =	sand.u32 $0xF80, s6;
	(pc) =	sbr.rel .LBB1_1-.Ltmp0, $4  }
0x8: {  	_ =	strace $0x8000004D;
	s9 =	smov.u32 s3;
	p0 =	sne.s32 s5, $0x0  }
0x9: {  	s6 =	sshrl.u32 s6, $0xC;
	s5 =	simm.s32 $0x1;
	s7 =	simm.s32 @!p0 $0x0  }
0xa: {  	[sflag:s5] =	ssyncpa.u1 $0x0;
	p0 =	por $0x0, $0x0;
	s6 =	sadd.s32 s7, s6  }
0xb: {  	[sflag:s8] =	ssyncpa.u1 $0x0;
	s8 =	simm.s32 $0x61A800;
	s7 =	sadd.s32 $0x1, s6  }
.LBB1_4:
0xc: {  	s14 =	sshll.u32 s11, $0x3  }
0xd: {  	s14 =	sand.u32 $0xFFFFFC00, s14  }
0xe: {  	s15 =	sshrl.u32 s14, $0x8  }
0xf: {  	s15 =	smulhi.u32 $0x14F8B59, s15;
	_ =	sdelay $0x1  }
0x10: {  	s15 =	sshrl.u32 s15, $0x4  }
0x11: {  	s28 =	sand.u32 $0x7F, s11;
	s16 =	smul.u32 $0xC3500, s15  }
0x12: {  	s11 =	sor.u32 s28, s14  }
0x13: {  	s29 =	sand.u32 $0x1F, s15;
	s11 =	ssub.s32 s11, s16  }
0x14: {  	s14 =	smul.u32 $0x186A0, s29;
	s30 =	sshrl.u32 s11, $0x3;
	s11 =	sand.u32 $0x7, s11  }
0x15: {  	s15 =	sadd.s32 s2, s30;
	s11 =	sshll.u32 s11, $0x12  }
0x16: {  	[tilespmem:s13+$0x0 ss:$0x81] =	vst.msk $0xffff, v0;
	s31 =	sadd.s32 s14, s15;
	s11 =	sor.u32 $0x400, s11  }
0x17: {  	[hbm4b:s31+s11] =	stream.strided.scatter [tilespmem:s12], [sflag:$0x2], $0x1000, s8, s11, $0x20;
	[tilespmem:$0x4040] =	vst v63  }
.LBB1_5:
0x18: {  	s13 =	sadd.s32 $0x1000, s9  }
0x19: {  	p2 =	sgt.s32 s13, $0xC34FF  }
0x1a: {  	s13 =	smov.u32 @p2 s3;
	p2 =	sne.s32 s10, s7  }
.Ltmp1:
0x1b: {  	p1 =	slt.u32 s10, $0x2;
	(pc) =	sbr.rel @!p2 .LBB1_6-.Ltmp1, $4  }
0x1c: {  	s12 =	simm.s32 @!p1 $0x2  }
0x1d: {  	s14 =	sadd.s32 $0x1, s10;
	_ =	swait.ge @!p1 [sflag:s12], $0x1000  }
0x1e: {  	s11 =	smov.u32 s9;
	p0 =	por !p0, !p0;
	[sflag:s12] =	ssyncset.done @!p1 $0x0  }
0x1f: {  	s10 =	smov.u32 s14;
	s9 =	smov.u32 s13;
	[sflag:s12] =	ssyncadd.s32 @!p1 $0xFFFFF000  }
.LBB1_1:
0x20: {  	p1 =	sge.u32 s10, s6  }
0x21: {  	s12 =	sand.u32 @!p1 $0x1FFFFFF, s9  }
0x22: {  	s13 =	smulhi.u32 @!p1 $0x14F8B59, s12;
	_ =	sdelay $0x1  }
0x23: {  	s13 =	sshrl.u32 @!p1 s13, $0xC  }
0x24: {  	s13 =	smul.u32 @!p1 $0xC3500, s13;
	_ =	sdelay $0x1  }
0x25: {  	s31 =	sadd.s32 $0xFFFFFFFF, s10;
	s14 =	sxor.u32 @!p1 $0xFFFFFFFF, s10;
	s12 =	ssub.s32 @!p1 s12, s13  }
0x26: {  	s15 =	simm.s32 @!p1 $0x80;
	s14 =	sshll.u32 @!p1 s14, $0xC;
	s12 =	sshll.u32 @!p1 s12, $0x4  }
0x27: {  	s13 =	sand.u32 @!p1 $0x1000, s14;
	s14 =	simm.s32 @!p1 $0x20;
	s12 =	sadd.s32 @!p1 s4, s12  }
0x28: {  	[tilespmem:s13], [sflag:$0x1] =	stream.strided.gather @!p1 [hbm4b:s12+s14], $0x1000, s15, s14, $0x38;
	[tilespmem:$0x4040] =	vst v63  }
0x29: {  	p1 =	sge.u32 s31, s6  }
.Ltmp2:
0x2a: {  	_ = 	snop;
	(pc) =	sbr.rel @p1 .LBB1_5-.Ltmp2, $1  }
0x2b: {  	_ =	sdelay $0x3  }
0x2c: {  	s12 =	simm.s32 $0x1  }
0x2d: {  	_ =	swait.ge [sflag:s5], $0x1000;
	s12 =	simm.s32 @!p0 $0x0  }
0x2e: {  	[sflag:s5] =	ssyncset.done $0x0;
	s13 =	sshll.u32 s12, $0xC  }
0x2f: {  	[sflag:s5] =	ssyncadd.s32 $0xFFFFF000;
	s16 =	sor.u32 $0x10, s13  }
0x30: {  	s12 =	smul.u32 $0x4080, s12;
	v1 =	vld [tilespmem:s16+$0x0]  }
0x31: {  	s30 =	sand.u32 $0x1, s10;
	v0 =	vld [tilespmem:s16+$0xFFFFFFF0]  }
0x32: {  	s13 =	smul.u32 $0x4080, s30;
	s12 =	sshrl.u32 s12, $0x2  }
0x33: {  	s14 =	sor.u32 $0x2000, s12  }
0x34: {  	s31 =	sshrl.u32 s13, $0x2;
	s13 =	sadd.s32 $0x0, s14  }
0x35: {  	s15 =	simm.s32 $0x4;
	s16 =	sadd.s32 $0x20, s16;
	s12 =	sor.u32 $0x2000, s31;
	[tilespmem:s13+$0x810 ss:$0x81] =	vst.msk $0xffff, v1  }
.LBB1_3:
0x36: {  	v1 =	vld [tilespmem:s16+$0x0];
	p1 =	sne.s32 s15, $0x1FC;
	[tilespmem:s13+$0x0 ss:$0x81] =	vst.msk $0xffff, v0;
	s13 =	smov.u32 s15;
	s15 =	sadd.s32 $0x4, s15  }
.Ltmp3:
0x37: {  	v0 =	vld [tilespmem:s16+$0xFFFFFFF0];
	(pc) =	sbr.rel @p1 .LBB1_3-.Ltmp3, $4  }
0x38: {  	_ = 	snop  }
0x39: {  	s13 =	sshra.s32 s13, $0x2  }
0x3a: {  	s13 =	sadd.s32 s13, s14  }
0x3b: {  	s16 =	sadd.s32 $0x20, s16;
	[tilespmem:s13+$0x810 ss:$0x81] =	vst.msk $0xffff, v1  }
.Ltmp4:
0x3c: {  	_ = 	snop;
	(pc) =	sbr.rel .LBB1_4-.Ltmp4, $1  }
0x3d: {  	_ =	sdelay $0x3  }
.LBB1_6:
0x3e: {  	_ =	sfence.sel $0x180000  }
0x3f: {  	s2 =	simm.s32 $0x1;
	[bflag:$0x0] =	sbarrier.arrive $0xFFFF  }
0x40: {  	s31 =	simm.s32 $0x2;
	[sflag:s2] =	ssyncpa.u1 $0x1  }
0x41: {  	[sflag:s31] =	ssyncpa.u1 $0x1  }
0x42: {  	p0 =	sne.s32 s0, $0x0;
	_ =	strace $0x9000004D  }
0x43: {  	s0 =	sadd.s32 @!p0 $0x100000, s1;
	[bflag:$0x2] =	sbarrier.arrive $0xFFFF  }
0x44: {  	[sflag:s0] =	ssyncadd.tile.s32 @!p0 $0x1;
	_ =	shalt  }
.Lfunc_end1:
_tile_overlayer_lowered:
.L_overlay_start_2:
0x45: {  	(tag) =	ssettag $0x2  }
0x46: {  	s0 =	rddreg [dreg:$0x0];
	s2 =	stileid.u32  }
0x47: {  	s1 =	rddreg [dreg:$0x1];
	p0 =	sne.s32 s2, $0x0  }
0x48: {  	s3 =	rddreg [dreg:$0x2];
	[bflag:$0x3] =	sbarrier.arrive $0xFFFF;
	s2 =	simm.s32 @!p0 $0x1C01  }
0x49: {  	[timem:s3], [sflag:s2] =	dma.local @!p0 [hbm:s0], s1  }
0x4a: {  	s0 =	simm.s32 @!p0 $0x1  }
0x4b: {  	_ =	swait.ge @!p0 [sflag:s0], s1  }
0x4c: {  	s1 =	ssub.s32 @!p0 $0x0, s1;
	[sflag:s0] =	ssyncset.done @!p0 $0x0  }
0x4d: {  	[sflag:s0] =	ssyncadd.s32 @!p0 s1  }
0x4e: {  	[bflag:$0x3] =	sbarrier.arrive $0xFFFF  }
0x4f: {  	_ =	shalt  }

</sc_bundles>
